<compile_context>
chip_gen: v7x
topology: tpu7x:2x2x1
jax: 0.10.2.dev20260603
libtpu: 0.0.44.dev20260713+nightly
codegen_flags: <defaults>
</compile_context>

<pallas_src>
import functools

import jax
import jax.numpy as jnp
from jax import lax
from jax.experimental import pallas as pl
from jax.experimental.pallas import tpu as pltpu
from jax.experimental.pallas import tpu_sc as plsc

E = 8
K = 2
D = 1024
ED = 2048
T = 2048
BLK = 256
NBLK = T * K // BLK + E
NPAD = NBLK * BLK
WL = 16
NW = 32
TPW = T // NW



def _router_body(x_ref, wg_ref, logits_ref, x32_ref, pos0_ref, pos1_ref,
                 w0_ref, w1_ref, eb_ref, bv_ref):
    x = x_ref[...]
    x32_ref[...] = x.astype(jnp.float32)
    logits = lax.dot_general(x, wg_ref[...], (((1,), (1,)), ((), ())),
                             preferred_element_type=jnp.float32)
    logits_bf = logits.astype(jnp.bfloat16)
    logits_ref[...] = logits_bf
    logits = logits_bf.astype(jnp.float32)
    m = jnp.max(logits, axis=1, keepdims=True)
    p = jnp.exp(logits - m)
    probs = p / jnp.sum(p, axis=1, keepdims=True)

    idx8 = lax.broadcasted_iota(jnp.int32, (T, E), 1)
    big = jnp.int32(E)
    m1 = jnp.max(probs, axis=1, keepdims=True)
    a1 = jnp.min(jnp.where(probs == m1, idx8, big), axis=1, keepdims=True)
    probs2 = jnp.where(idx8 == a1, jnp.float32(-1.0), probs)
    m2 = jnp.max(probs2, axis=1, keepdims=True)
    a2 = jnp.min(jnp.where(probs2 == m2, idx8, big), axis=1, keepdims=True)
    tot = m1 + m2
    w1n = m1 / tot
    w2n = m2 / tot
    w0_ref[...] = jnp.broadcast_to(w1n, (T, WL))
    w1_ref[...] = jnp.broadcast_to(w2n, (T, WL))

    oh0 = (idx8 == a1).astype(jnp.float32)
    oh1 = (idx8 == a2).astype(jnp.float32)

    def icumsum(y):
        s = 1
        while s < T:
            y = y + jnp.concatenate(
                [jnp.zeros((s, E), jnp.float32), y[:T - s]], axis=0)
            s *= 2
        return y
    r0 = icumsum(oh0)
    r1 = icumsum(oh1)
    cnt0 = r0[T - 1:T, :]
    counts = cnt0 + r1[T - 1:T, :]
    cp = jnp.ceil(counts / BLK) * BLK
    tri = (lax.broadcasted_iota(jnp.int32, (E, E), 0)
           < lax.broadcasted_iota(jnp.int32, (E, E), 1)).astype(jnp.float32)
    astart = lax.dot_general(cp, tri, (((1,), (0,)), ((), ())),
                             preferred_element_type=jnp.float32)
    pos0 = jnp.sum(oh0 * (astart + r0 - 1.0), axis=1, keepdims=True)
    pos1 = jnp.sum(oh1 * (astart + cnt0 + r1 - 1.0), axis=1, keepdims=True)
    pos0_ref[...] = pos0.astype(jnp.int32)
    pos1_ref[...] = pos1.astype(jnp.int32)

    ends = astart + cp
    bs = (lax.broadcasted_iota(jnp.int32, (NBLK, 1), 0) * BLK
          ).astype(jnp.float32)
    endsb = jnp.broadcast_to(ends, (NBLK, E))
    eb = jnp.sum((endsb <= bs).astype(jnp.int32), axis=1, keepdims=True)
    total = jnp.max(ends)
    bv = (bs < total).astype(jnp.int32)
    iota8f = lax.broadcasted_iota(jnp.int32, (1, E), 1).astype(jnp.float32)
    elast = jnp.max(jnp.where(counts > 0, iota8f, 0.0)).astype(jnp.int32)
    eb_ref[...] = jnp.where(bv == 1, eb, elast)
    bv_ref[...] = bv


def _router(x, wg):
    return pl.pallas_call(
        _router_body,
        out_shape=(
            jax.ShapeDtypeStruct((T, E), jnp.bfloat16),
            jax.ShapeDtypeStruct((T, D), jnp.float32),
            jax.ShapeDtypeStruct((T, 1), jnp.int32),
            jax.ShapeDtypeStruct((T, 1), jnp.int32),
            jax.ShapeDtypeStruct((T, WL), jnp.float32),
            jax.ShapeDtypeStruct((T, WL), jnp.float32),
            jax.ShapeDtypeStruct((NBLK, 1), jnp.int32),
            jax.ShapeDtypeStruct((NBLK, 1), jnp.int32),
        ),
    )(x, wg)



def _dispatch_body(x_hbm, pos0_hbm, pos1_hbm, xs_hbm, rows_v, idx_v, sem):
    wid = lax.axis_index("s") * 2 + lax.axis_index("c")
    base = wid * TPW
    pltpu.sync_copy(x_hbm.at[pl.ds(base, TPW)], rows_v)
    pltpu.sync_copy(pos0_hbm.at[pl.ds(base, TPW)], idx_v)
    pltpu.async_copy(rows_v, xs_hbm.at[idx_v], sem).wait()
    pltpu.sync_copy(pos1_hbm.at[pl.ds(base, TPW)], idx_v)
    pltpu.async_copy(rows_v, xs_hbm.at[idx_v], sem).wait()


def _dispatch(x, pos0, pos1):
    mesh = plsc.VectorSubcoreMesh(core_axis_name="c", subcore_axis_name="s")
    return pl.kernel(
        _dispatch_body,
        out_type=jax.ShapeDtypeStruct((NPAD, D), jnp.float32),
        mesh=mesh,
        scratch_types=[
            pltpu.VMEM((TPW, D), jnp.float32),
            pltpu.VMEM((TPW,), jnp.int32),
            pltpu.SemaphoreType.DMA,
        ],
    )(x, pos0, pos1)



def _mm_body(eb_ref, bv_ref, xs_ref, wg_ref, wu_ref, wd_ref, ys_ref):
    i = pl.program_id(0)

    @pl.when(bv_ref[i] == 1)
    def _():
        xb = xs_ref[...].astype(jnp.bfloat16)
        g = lax.dot_general(xb, wg_ref[0], (((1,), (1,)), ((), ())),
                            preferred_element_type=jnp.float32)
        u = lax.dot_general(xb, wu_ref[0], (((1,), (1,)), ((), ())),
                            preferred_element_type=jnp.float32)
        h = (g * jax.nn.sigmoid(g) * u).astype(jnp.bfloat16)
        ys_ref[...] = lax.dot_general(h, wd_ref[0], (((1,), (1,)), ((), ())),
                                      preferred_element_type=jnp.float32)


def _grouped_mm(eb, bv, xs, wgate, wup, wdown):
    grid_spec = pltpu.PrefetchScalarGridSpec(
        num_scalar_prefetch=2,
        grid=(NBLK,),
        in_specs=[
            pl.BlockSpec((BLK, D), lambda i, eb, bv: (i, 0)),
            pl.BlockSpec((1, ED, D), lambda i, eb, bv: (eb[i], 0, 0)),
            pl.BlockSpec((1, ED, D), lambda i, eb, bv: (eb[i], 0, 0)),
            pl.BlockSpec((1, D, ED), lambda i, eb, bv: (eb[i], 0, 0)),
        ],
        out_specs=pl.BlockSpec((BLK, D), lambda i, eb, bv: (i, 0)),
    )
    return pl.pallas_call(
        _mm_body,
        grid_spec=grid_spec,
        out_shape=jax.ShapeDtypeStruct((NPAD, D), jnp.float32),
    )(eb, bv, xs, wgate, wup, wdown)



CCH = 32


def _combine_body(ys_hbm, pos0_hbm, pos1_hbm, w0_hbm, w1_hbm, out_hbm,
                  buf0_v, buf1_v, wv0, wv1, idx_v, sem):
    wid = lax.axis_index("s") * 2 + lax.axis_index("c")
    base = wid * TPW
    for c in range(TPW // CCH):
        cbase = base + c * CCH
        pltpu.sync_copy(pos0_hbm.at[pl.ds(cbase, CCH)], idx_v)
        pltpu.async_copy(ys_hbm.at[idx_v], buf0_v, sem).wait()
        pltpu.sync_copy(pos1_hbm.at[pl.ds(cbase, CCH)], idx_v)
        pltpu.async_copy(ys_hbm.at[idx_v], buf1_v, sem).wait()
        pltpu.sync_copy(w0_hbm.at[pl.ds(cbase, CCH)], wv0)
        pltpu.sync_copy(w1_hbm.at[pl.ds(cbase, CCH)], wv1)

        @plsc.parallel_loop(0, CCH * (D // 16), 1, unroll=8)
        def _add(i):
            r = i // (D // 16)
            col = (i % (D // 16)) * 16
            buf0_v[r, pl.ds(col, 16)] = (
                buf0_v[r, pl.ds(col, 16)] * wv0[r, pl.ds(0, 16)]
                + buf1_v[r, pl.ds(col, 16)] * wv1[r, pl.ds(0, 16)])
        pltpu.sync_copy(buf0_v, out_hbm.at[pl.ds(cbase, CCH)])


def _combine(ys, pos0, pos1, w0, w1):
    mesh = plsc.VectorSubcoreMesh(core_axis_name="c", subcore_axis_name="s")
    return pl.kernel(
        _combine_body,
        out_type=jax.ShapeDtypeStruct((T, D), jnp.float32),
        mesh=mesh,
        scratch_types=[
            pltpu.VMEM((CCH, D), jnp.float32),
            pltpu.VMEM((CCH, D), jnp.float32),
            pltpu.VMEM((CCH, WL), jnp.float32),
            pltpu.VMEM((CCH, WL), jnp.float32),
            pltpu.VMEM((CCH,), jnp.int32),
            pltpu.SemaphoreType.DMA,
        ],
    )(ys, pos0, pos1, w0, w1)



def kernel(hidden_states, Wg, W_gate, W_up, W_down):
    B, S, Dm = hidden_states.shape
    x = hidden_states.reshape(S, Dm)
    logits, x32, pos0, pos1, w0, w1, eb, bv = _router(x, Wg)
    pos0 = pos0.reshape(T)
    pos1 = pos1.reshape(T)
    xs = _dispatch(x32, pos0, pos1)
    ys = _grouped_mm(eb.reshape(NBLK), bv.reshape(NBLK), xs,
                     W_gate, W_up, W_down)
    outf = _combine(ys, pos0, pos1, w0, w1)
    return outf.astype(jnp.bfloat16).reshape(B, S, Dm), logits

# --- scband reference (transcript-rebuilt; emitter-appended) ---
"""Pipeline reference for scband-mo-emlp-20641612825251 (READ-ONLY COPY).

The authoritative reference and input builder live on the scoring server;
editing this copy changes nothing except your own understanding.
"""

import jax, jax.numpy as jnp
import numpy as np

NUM_EXPERTS = 8
TOP_K = 2
MODEL_DIM = 1024
EXPERT_DIM = 2048


def setup_inputs(seed: int = 0):
    key = jax.random.key(seed)
    ks = jax.random.split(key, 5)
    hidden_states = jax.random.normal(ks[0], (1, 2048, MODEL_DIM), dtype=jnp.float32).astype(jnp.bfloat16)
    Wg = (jax.random.normal(ks[1], (NUM_EXPERTS, MODEL_DIM), dtype=jnp.float32) * 0.02).astype(jnp.bfloat16)
    W_gate = (jax.random.normal(ks[2], (NUM_EXPERTS, EXPERT_DIM, MODEL_DIM), dtype=jnp.float32) * 0.02).astype(jnp.bfloat16)
    W_up = (jax.random.normal(ks[3], (NUM_EXPERTS, EXPERT_DIM, MODEL_DIM), dtype=jnp.float32) * 0.02).astype(jnp.bfloat16)
    W_down = (jax.random.normal(ks[4], (NUM_EXPERTS, MODEL_DIM, EXPERT_DIM), dtype=jnp.float32) * 0.02).astype(jnp.bfloat16)
    return {"hidden_states": hidden_states, "Wg": Wg, "W_gate": W_gate, "W_up": W_up, "W_down": W_down}


def reference(hidden_states, Wg, W_gate, W_up, W_down):
    B, S, D = hidden_states.shape
    x = hidden_states.reshape(-1, D)
    router_logits = x @ Wg.T
    routing_weights = jax.nn.softmax(router_logits.astype(jnp.float32), axis=1)
    w, sel = jax.lax.top_k(routing_weights, TOP_K)
    w = w / jnp.sum(w, axis=-1, keepdims=True)
    w = w.astype(x.dtype)
    out = jnp.zeros_like(x)
    for e in range(NUM_EXPERTS):
        we = jnp.sum(jnp.where(sel == e, w, jnp.zeros_like(w)), axis=-1)
        h = jax.nn.silu(x @ W_gate[e].T) * (x @ W_up[e].T)
        y = (h @ W_down[e].T) * we[:, None]
        out = out + y.astype(x.dtype)
    return out.reshape(B, S, D), router_logits

if __name__ == "__main__":
    import jax
    _d = setup_inputs()
    print(jax.jit(kernel)(*tuple(_d.values())))

</pallas_src>

<mosaic_0001>
#map = affine_map<(d0, d1) -> (0, 0)>
#map1 = affine_map<(d0, d1) -> (0)>
module attributes {stable_mosaic.version = 14 : i64} {
  func.func @_combine_body(%arg0: i32, %arg1: i32, %arg2: memref<6144x1024xf32, #tpu.memory_space<hbm>>, %arg3: memref<2048xi32, #tpu.memory_space<hbm>>, %arg4: memref<2048xi32, #tpu.memory_space<hbm>>, %arg5: memref<2048x16xf32, #tpu.memory_space<hbm>>, %arg6: memref<2048x16xf32, #tpu.memory_space<hbm>>, %arg7: memref<2048x1024xf32, #tpu.memory_space<hbm>>, %arg8: memref<32x1024xf32, #tpu.memory_space<vmem>>, %arg9: memref<32x1024xf32, #tpu.memory_space<vmem>>, %arg10: memref<32x16xf32, #tpu.memory_space<vmem>>, %arg11: memref<32x16xf32, #tpu.memory_space<vmem>>, %arg12: memref<32xi32, #tpu.memory_space<vmem>>, %arg13: memref<!tpu.dma_semaphore, #tpu.memory_space<semaphore_mem>>) attributes {dimension_semantics = [#tpu.dimension_semantics<core_parallel>, #tpu.dimension_semantics<subcore_parallel>], iteration_bounds = array<i64: 2, 16>, scalar_prefetch = 0 : i64, scratch_operands = 6 : i64, tpu.core_type = #tpu.core_type<sc_vector_subcore>, window_params = [{transform_indices = #map}, {transform_indices = #map1}, {transform_indices = #map1}, {transform_indices = #map}, {transform_indices = #map}, {transform_indices = #map}]} {
    %mul3A = arith.constant 2 : i32
    %mul3A_0 = arith.muli %arg1, %mul3A : i32
    %add3A = arith.addi %mul3A_0, %arg0 : i32
    %mul3A_1 = arith.constant 64 : i32
    %mul3A_2 = arith.muli %add3A, %mul3A_1 : i32
    %add3A_3 = arith.constant 0 : i32
    %add3A_4 = arith.addi %mul3A_2, %add3A_3 : i32
    "tpu.region"() ({
      %run_scoped3A = tpu.sem_alloc : memref<!tpu.dma_semaphore, #tpu.memory_space<semaphore_mem>>
      %dma_start3A_34 = tpu.memref_slice %arg3[%add3A_4] : memref<2048xi32, #tpu.memory_space<hbm>> -> memref<32xi32, #tpu.memory_space<hbm>>
      %dma_start3A_35 = tpu.memref_slice %arg3[%add3A_4] : memref<2048xi32, #tpu.memory_space<hbm>> -> memref<32xi32, #tpu.memory_space<hbm>>
      tpu.enqueue_dma source(%dma_start3A_35 : memref<32xi32, #tpu.memory_space<hbm>>) target(%arg12 : memref<32xi32, #tpu.memory_space<vmem>>) target_semaphore(%run_scoped3A : memref<!tpu.dma_semaphore, #tpu.memory_space<semaphore_mem>>)
      %dma_wait3A_36 = tpu.memref_slice %arg3[%add3A_4] : memref<2048xi32, #tpu.memory_space<hbm>> -> memref<32xi32, #tpu.memory_space<hbm>>
      %dma_wait3A_37 = tpu.memref_slice %arg3[%add3A_4] : memref<2048xi32, #tpu.memory_space<hbm>> -> memref<32xi32, #tpu.memory_space<hbm>>
      tpu.wait_dma2 semaphore(%run_scoped3A : memref<!tpu.dma_semaphore, #tpu.memory_space<semaphore_mem>>) src(%dma_wait3A_37 : memref<32xi32, #tpu.memory_space<hbm>>) dst(%arg12 : memref<32xi32, #tpu.memory_space<vmem>>)
      tpu.yield
    }) : () -> ()
    %dma_start3A = arith.constant 0 : i32
    %dma_start3A_5 = arith.constant 0 : i32
    %dma_start3A_6 = tpu.memref_slice %arg2[%dma_start3A, %dma_start3A_5] : memref<6144x1024xf32, #tpu.memory_space<hbm>> -> memref<6144x1024xf32, #tpu.memory_space<hbm>>
    tpu.enqueue_indirect_dma source(%dma_start3A_6 : memref<6144x1024xf32, #tpu.memory_space<hbm>>) target(%arg8 : memref<32x1024xf32, #tpu.memory_space<vmem>>) offsets(%arg12 : memref<32xi32, #tpu.memory_space<vmem>>) semaphore(%arg13 : memref<!tpu.dma_semaphore, #tpu.memory_space<semaphore_mem>>)
    %dma_wait3A = arith.constant 0 : i32
    %dma_wait3A_7 = arith.constant 0 : i32
    %dma_wait3A_8 = tpu.memref_slice %arg2[%dma_wait3A, %dma_wait3A_7] : memref<6144x1024xf32, #tpu.memory_space<hbm>> -> memref<6144x1024xf32, #tpu.memory_space<hbm>>
    tpu.wait_indirect_dma semaphore(%arg13 : memref<!tpu.dma_semaphore, #tpu.memory_space<semaphore_mem>>) src(%dma_wait3A_8 : memref<6144x1024xf32, #tpu.memory_space<hbm>>) dst(%arg8 : memref<32x1024xf32, #tpu.memory_space<vmem>>)
    "tpu.region"() ({
      %run_scoped3A = tpu.sem_alloc : memref<!tpu.dma_semaphore, #tpu.memory_space<semaphore_mem>>
      %dma_start3A_34 = tpu.memref_slice %arg4[%add3A_4] : memref<2048xi32, #tpu.memory_space<hbm>> -> memref<32xi32, #tpu.memory_space<hbm>>
      %dma_start3A_35 = tpu.memref_slice %arg4[%add3A_4] : memref<2048xi32, #tpu.memory_space<hbm>> -> memref<32xi32, #tpu.memory_space<hbm>>
      tpu.enqueue_dma source(%dma_start3A_35 : memref<32xi32, #tpu.memory_space<hbm>>) target(%arg12 : memref<32xi32, #tpu.memory_space<vmem>>) target_semaphore(%run_scoped3A : memref<!tpu.dma_semaphore, #tpu.memory_space<semaphore_mem>>)
      %dma_wait3A_36 = tpu.memref_slice %arg4[%add3A_4] : memref<2048xi32, #tpu.memory_space<hbm>> -> memref<32xi32, #tpu.memory_space<hbm>>
      %dma_wait3A_37 = tpu.memref_slice %arg4[%add3A_4] : memref<2048xi32, #tpu.memory_space<hbm>> -> memref<32xi32, #tpu.memory_space<hbm>>
      tpu.wait_dma2 semaphore(%run_scoped3A : memref<!tpu.dma_semaphore, #tpu.memory_space<semaphore_mem>>) src(%dma_wait3A_37 : memref<32xi32, #tpu.memory_space<hbm>>) dst(%arg12 : memref<32xi32, #tpu.memory_space<vmem>>)
      tpu.yield
    }) : () -> ()
    %dma_start3A_9 = arith.constant 0 : i32
    %dma_start3A_10 = arith.constant 0 : i32
    %dma_start3A_11 = tpu.memref_slice %arg2[%dma_start3A_9, %dma_start3A_10] : memref<6144x1024xf32, #tpu.memory_space<hbm>> -> memref<6144x1024xf32, #tpu.memory_space<hbm>>
    tpu.enqueue_indirect_dma source(%dma_start3A_11 : memref<6144x1024xf32, #tpu.memory_space<hbm>>) target(%arg9 : memref<32x1024xf32, #tpu.memory_space<vmem>>) offsets(%arg12 : memref<32xi32, #tpu.memory_space<vmem>>) semaphore(%arg13 : memref<!tpu.dma_semaphore, #tpu.memory_space<semaphore_mem>>)
    %dma_wait3A_12 = arith.constant 0 : i32
    %dma_wait3A_13 = arith.constant 0 : i32
    %dma_wait3A_14 = tpu.memref_slice %arg2[%dma_wait3A_12, %dma_wait3A_13] : memref<6144x1024xf32, #tpu.memory_space<hbm>> -> memref<6144x1024xf32, #tpu.memory_space<hbm>>
    tpu.wait_indirect_dma semaphore(%arg13 : memref<!tpu.dma_semaphore, #tpu.memory_space<semaphore_mem>>) src(%dma_wait3A_14 : memref<6144x1024xf32, #tpu.memory_space<hbm>>) dst(%arg9 : memref<32x1024xf32, #tpu.memory_space<vmem>>)
    "tpu.region"() ({
      %run_scoped3A = tpu.sem_alloc : memref<!tpu.dma_semaphore, #tpu.memory_space<semaphore_mem>>
      %dma_start3A_34 = arith.constant 0 : i32
      %dma_start3A_35 = tpu.memref_slice %arg5[%add3A_4, %dma_start3A_34] : memref<2048x16xf32, #tpu.memory_space<hbm>> -> memref<32x16xf32, #tpu.memory_space<hbm>>
      %dma_start3A_36 = arith.constant 0 : i32
      %dma_start3A_37 = tpu.memref_slice %arg5[%add3A_4, %dma_start3A_36] : memref<2048x16xf32, #tpu.memory_space<hbm>> -> memref<32x16xf32, #tpu.memory_space<hbm>>
      tpu.enqueue_dma source(%dma_start3A_37 : memref<32x16xf32, #tpu.memory_space<hbm>>) target(%arg10 : memref<32x16xf32, #tpu.memory_space<vmem>>) target_semaphore(%run_scoped3A : memref<!tpu.dma_semaphore, #tpu.memory_space<semaphore_mem>>)
      %dma_wait3A_38 = arith.constant 0 : i32
      %dma_wait3A_39 = tpu.memref_slice %arg5[%add3A_4, %dma_wait3A_38] : memref<2048x16xf32, #tpu.memory_space<hbm>> -> memref<32x16xf32, #tpu.memory_space<hbm>>
      %dma_wait3A_40 = arith.constant 0 : i32
      %dma_wait3A_41 = tpu.memref_slice %arg5[%add3A_4, %dma_wait3A_40] : memref<2048x16xf32, #tpu.memory_space<hbm>> -> memref<32x16xf32, #tpu.memory_space<hbm>>
      tpu.wait_dma2 semaphore(%run_scoped3A : memref<!tpu.dma_semaphore, #tpu.memory_space<semaphore_mem>>) src(%dma_wait3A_41 : memref<32x16xf32, #tpu.memory_space<hbm>>) dst(%arg10 : memref<32x16xf32, #tpu.memory_space<vmem>>)
      tpu.yield
    }) : () -> ()
    "tpu.region"() ({
      %run_scoped3A = tpu.sem_alloc : memref<!tpu.dma_semaphore, #tpu.memory_space<semaphore_mem>>
      %dma_start3A_34 = arith.constant 0 : i32
      %dma_start3A_35 = tpu.memref_slice %arg6[%add3A_4, %dma_start3A_34] : memref<2048x16xf32, #tpu.memory_space<hbm>> -> memref<32x16xf32, #tpu.memory_space<hbm>>
      %dma_start3A_36 = arith.constant 0 : i32
      %dma_start3A_37 = tpu.memref_slice %arg6[%add3A_4, %dma_start3A_36] : memref<2048x16xf32, #tpu.memory_space<hbm>> -> memref<32x16xf32, #tpu.memory_space<hbm>>
      tpu.enqueue_dma source(%dma_start3A_37 : memref<32x16xf32, #tpu.memory_space<hbm>>) target(%arg11 : memref<32x16xf32, #tpu.memory_space<vmem>>) target_semaphore(%run_scoped3A : memref<!tpu.dma_semaphore, #tpu.memory_space<semaphore_mem>>)
      %dma_wait3A_38 = arith.constant 0 : i32
      %dma_wait3A_39 = tpu.memref_slice %arg6[%add3A_4, %dma_wait3A_38] : memref<2048x16xf32, #tpu.memory_space<hbm>> -> memref<32x16xf32, #tpu.memory_space<hbm>>
      %dma_wait3A_40 = arith.constant 0 : i32
      %dma_wait3A_41 = tpu.memref_slice %arg6[%add3A_4, %dma_wait3A_40] : memref<2048x16xf32, #tpu.memory_space<hbm>> -> memref<32x16xf32, #tpu.memory_space<hbm>>
      tpu.wait_dma2 semaphore(%run_scoped3A : memref<!tpu.dma_semaphore, #tpu.memory_space<semaphore_mem>>) src(%dma_wait3A_41 : memref<32x16xf32, #tpu.memory_space<hbm>>) dst(%arg11 : memref<32x16xf32, #tpu.memory_space<vmem>>)
      tpu.yield
    }) : () -> ()
    %parallel_loop3A = arith.constant 0 : i32
    %parallel_loop3A_15 = arith.constant 2048 : i32
    %parallel_loop3A_16 = arith.constant 1 : i32
    scf.for %parallel_loop3A_34 = %parallel_loop3A to %parallel_loop3A_15 step %parallel_loop3A_16  : i32 {
      %parallel_loop3A_35 = arith.constant 64 : i32
      %parallel_loop3A_36 = arith.divsi %parallel_loop3A_34, %parallel_loop3A_35 : i32
      %parallel_loop3A_37 = arith.constant 0 : i32
      %parallel_loop3A_38 = arith.cmpi sgt, %parallel_loop3A_34, %parallel_loop3A_37 : i32
      %parallel_loop3A_39 = arith.extui %parallel_loop3A_38 : i1 to i32
      %parallel_loop3A_40 = arith.constant 0 : i32
      %parallel_loop3A_41 = arith.cmpi slt, %parallel_loop3A_34, %parallel_loop3A_40 : i32
      %parallel_loop3A_42 = arith.extui %parallel_loop3A_41 : i1 to i32
      %parallel_loop3A_43 = arith.subi %parallel_loop3A_39, %parallel_loop3A_42 : i32
      %parallel_loop3A_44 = arith.constant 0 : i32
      %parallel_loop3A_45 = arith.cmpi sgt, %parallel_loop3A_35, %parallel_loop3A_44 : i32
      %parallel_loop3A_46 = arith.extui %parallel_loop3A_45 : i1 to i32
      %parallel_loop3A_47 = arith.constant 0 : i32
      %parallel_loop3A_48 = arith.cmpi slt, %parallel_loop3A_35, %parallel_loop3A_47 : i32
      %parallel_loop3A_49 = arith.extui %parallel_loop3A_48 : i1 to i32
      %parallel_loop3A_50 = arith.subi %parallel_loop3A_46, %parallel_loop3A_49 : i32
      %parallel_loop3A_51 = arith.cmpi ne, %parallel_loop3A_43, %parallel_loop3A_50 : i32
      %parallel_loop3A_52 = arith.remsi %parallel_loop3A_34, %parallel_loop3A_35 : i32
      %parallel_loop3A_53 = arith.constant 0 : i32
      %parallel_loop3A_54 = arith.cmpi ne, %parallel_loop3A_52, %parallel_loop3A_53 : i32
      %parallel_loop3A_55 = arith.andi %parallel_loop3A_51, %parallel_loop3A_54 : i1
      %parallel_loop3A_56 = arith.constant 1 : i32
      %parallel_loop3A_57 = arith.subi %parallel_loop3A_36, %parallel_loop3A_56 : i32
      %parallel_loop3A_58 = arith.select %parallel_loop3A_55, %parallel_loop3A_57, %parallel_loop3A_36 : i32
      %parallel_loop3A_59 = arith.constant 64 : i32
      %parallel_loop3A_60 = arith.constant 0 : i32
      %parallel_loop3A_61 = arith.cmpi eq, %parallel_loop3A_59, %parallel_loop3A_60 : i32
      %parallel_loop3A_62 = arith.constant 1 : i32
      %parallel_loop3A_63 = arith.select %parallel_loop3A_61, %parallel_loop3A_62, %parallel_loop3A_59 : i32
      %parallel_loop3A_64 = arith.remsi %parallel_loop3A_34, %parallel_loop3A_63 : i32
      %parallel_loop3A_65 = arith.constant 0 : i32
      %parallel_loop3A_66 = arith.cmpi ne, %parallel_loop3A_64, %parallel_loop3A_65 : i32
      %parallel_loop3A_67 = arith.constant 0 : i32
      %parallel_loop3A_68 = arith.cmpi slt, %parallel_loop3A_64, %parallel_loop3A_67 : i32
      %parallel_loop3A_69 = arith.constant 0 : i32
      %parallel_loop3A_70 = arith.cmpi slt, %parallel_loop3A_63, %parallel_loop3A_69 : i32
      %parallel_loop3A_71 = arith.xori %parallel_loop3A_68, %parallel_loop3A_70 : i1
      %parallel_loop3A_72 = arith.andi %parallel_loop3A_71, %parallel_loop3A_66 : i1
      %parallel_loop3A_73 = arith.addi %parallel_loop3A_64, %parallel_loop3A_63 : i32
      %parallel_loop3A_74 = arith.select %parallel_loop3A_72, %parallel_loop3A_73, %parallel_loop3A_64 : i32
      %parallel_loop3A_75 = arith.constant 16 : i32
      %parallel_loop3A_76 = arith.muli %parallel_loop3A_74, %parallel_loop3A_75 : i32
      %parallel_loop3A_77 = arith.index_cast %parallel_loop3A_58 : i32 to index
      %parallel_loop3A_78 = arith.index_cast %parallel_loop3A_76 : i32 to index
      %parallel_loop3A_79 = tpu.vector_load %arg8[%parallel_loop3A_77, %parallel_loop3A_78] {strides = array<i32>} : memref<32x1024xf32, #tpu.memory_space<vmem>>, vector<1x16xf32>,
      %parallel_loop3A_80 = vector.shape_cast %parallel_loop3A_79 : vector<1x16xf32> to vector<16xf32>
      %parallel_loop3A_81 = arith.index_cast %parallel_loop3A_58 : i32 to index
      %parallel_loop3A_82 = arith.constant 0 : index
      %parallel_loop3A_83 = tpu.vector_load %arg10[%parallel_loop3A_81, %parallel_loop3A_82] {strides = array<i32>} : memref<32x16xf32, #tpu.memory_space<vmem>>, vector<1x16xf32>,
      %parallel_loop3A_84 = vector.shape_cast %parallel_loop3A_83 : vector<1x16xf32> to vector<16xf32>
      %parallel_loop3A_85 = arith.mulf %parallel_loop3A_80, %parallel_loop3A_84 : vector<16xf32>
      %parallel_loop3A_86 = arith.index_cast %parallel_loop3A_58 : i32 to index
      %parallel_loop3A_87 = arith.index_cast %parallel_loop3A_76 : i32 to index
      %parallel_loop3A_88 = tpu.vector_load %arg9[%parallel_loop3A_86, %parallel_loop3A_87] {strides = array<i32>} : memref<32x1024xf32, #tpu.memory_space<vmem>>, vector<1x16xf32>,
      %parallel_loop3A_89 = vector.shape_cast %parallel_loop3A_88 : vector<1x16xf32> to vector<16xf32>
      %parallel_loop3A_90 = arith.index_cast %parallel_loop3A_58 : i32 to index
      %parallel_loop3A_91 = arith.constant 0 : index
      %parallel_loop3A_92 = tpu.vector_load %arg11[%parallel_loop3A_90, %parallel_loop3A_91] {strides = array<i32>} : memref<32x16xf32, #tpu.memory_space<vmem>>, vector<1x16xf32>,
      %parallel_loop3A_93 = vector.shape_cast %parallel_loop3A_92 : vector<1x16xf32> to vector<16xf32>
      %parallel_loop3A_94 = arith.mulf %parallel_loop3A_89, %parallel_loop3A_93 : vector<16xf32>
      %parallel_loop3A_95 = arith.addf %parallel_loop3A_85, %parallel_loop3A_94 : vector<16xf32>
      %parallel_loop3A_96 = arith.index_cast %parallel_loop3A_58 : i32 to index
      %parallel_loop3A_97 = arith.index_cast %parallel_loop3A_76 : i32 to index
      %parallel_loop3A_98 = tpu.vector_load %arg8[%parallel_loop3A_96, %parallel_loop3A_97] {strides = array<i32>} : memref<32x1024xf32, #tpu.memory_space<vmem>>, vector<1x16xf32>,
      %parallel_loop3A_99 = vector.shape_cast %parallel_loop3A_98 : vector<1x16xf32> to vector<16xf32>
      %parallel_loop3A_100 = vector.shape_cast %parallel_loop3A_95 : vector<16xf32> to vector<1x16xf32>
      tpu.vector_store %arg8[%parallel_loop3A_96, %parallel_loop3A_97], %parallel_loop3A_100 {strides = array<i32>} : memref<32x1024xf32, #tpu.memory_space<vmem>>, vector<1x16xf32>,
    } {sc.loop_unroll_factor = 8 : i64, sc.parallel_access}
    "tpu.region"() ({
      %run_scoped3A = tpu.sem_alloc : memref<!tpu.dma_semaphore, #tpu.memory_space<semaphore_mem>>
      %dma_start3A_34 = arith.constant 0 : i32
      %dma_start3A_35 = tpu.memref_slice %arg7[%add3A_4, %dma_start3A_34] : memref<2048x1024xf32, #tpu.memory_space<hbm>> -> memref<32x1024xf32, #tpu.memory_space<hbm>>
      %dma_start3A_36 = arith.constant 0 : i32
      %dma_start3A_37 = tpu.memref_slice %arg7[%add3A_4, %dma_start3A_36] : memref<2048x1024xf32, #tpu.memory_space<hbm>> -> memref<32x1024xf32, #tpu.memory_space<hbm>>
      tpu.enqueue_dma source(%arg8 : memref<32x1024xf32, #tpu.memory_space<vmem>>) target(%dma_start3A_37 : memref<32x1024xf32, #tpu.memory_space<hbm>>) target_semaphore(%run_scoped3A : memref<!tpu.dma_semaphore, #tpu.memory_space<semaphore_mem>>)
      %dma_wait3A_38 = arith.constant 0 : i32
      %dma_wait3A_39 = tpu.memref_slice %arg7[%add3A_4, %dma_wait3A_38] : memref<2048x1024xf32, #tpu.memory_space<hbm>> -> memref<32x1024xf32, #tpu.memory_space<hbm>>
      %dma_wait3A_40 = arith.constant 0 : i32
      %dma_wait3A_41 = tpu.memref_slice %arg7[%add3A_4, %dma_wait3A_40] : memref<2048x1024xf32, #tpu.memory_space<hbm>> -> memref<32x1024xf32, #tpu.memory_space<hbm>>
      tpu.wait_dma2 semaphore(%run_scoped3A : memref<!tpu.dma_semaphore, #tpu.memory_space<semaphore_mem>>) src(%arg8 : memref<32x1024xf32, #tpu.memory_space<vmem>>) dst(%dma_wait3A_41 : memref<32x1024xf32, #tpu.memory_space<hbm>>)
      tpu.yield
    }) : () -> ()
    %add3A_17 = arith.constant 32 : i32
    %add3A_18 = arith.addi %mul3A_2, %add3A_17 : i32
    "tpu.region"() ({
      %run_scoped3A = tpu.sem_alloc : memref<!tpu.dma_semaphore, #tpu.memory_space<semaphore_mem>>
      %dma_start3A_34 = tpu.memref_slice %arg3[%add3A_18] : memref<2048xi32, #tpu.memory_space<hbm>> -> memref<32xi32, #tpu.memory_space<hbm>>
      %dma_start3A_35 = tpu.memref_slice %arg3[%add3A_18] : memref<2048xi32, #tpu.memory_space<hbm>> -> memref<32xi32, #tpu.memory_space<hbm>>
      tpu.enqueue_dma source(%dma_start3A_35 : memref<32xi32, #tpu.memory_space<hbm>>) target(%arg12 : memref<32xi32, #tpu.memory_space<vmem>>) target_semaphore(%run_scoped3A : memref<!tpu.dma_semaphore, #tpu.memory_space<semaphore_mem>>)
      %dma_wait3A_36 = tpu.memref_slice %arg3[%add3A_18] : memref<2048xi32, #tpu.memory_space<hbm>> -> memref<32xi32, #tpu.memory_space<hbm>>
      %dma_wait3A_37 = tpu.memref_slice %arg3[%add3A_18] : memref<2048xi32, #tpu.memory_space<hbm>> -> memref<32xi32, #tpu.memory_space<hbm>>
      tpu.wait_dma2 semaphore(%run_scoped3A : memref<!tpu.dma_semaphore, #tpu.memory_space<semaphore_mem>>) src(%dma_wait3A_37 : memref<32xi32, #tpu.memory_space<hbm>>) dst(%arg12 : memref<32xi32, #tpu.memory_space<vmem>>)
      tpu.yield
    }) : () -> ()
    %dma_start3A_19 = arith.constant 0 : i32
    %dma_start3A_20 = arith.constant 0 : i32
    %dma_start3A_21 = tpu.memref_slice %arg2[%dma_start3A_19, %dma_start3A_20] : memref<6144x1024xf32, #tpu.memory_space<hbm>> -> memref<6144x1024xf32, #tpu.memory_space<hbm>>
    tpu.enqueue_indirect_dma source(%dma_start3A_21 : memref<6144x1024xf32, #tpu.memory_space<hbm>>) target(%arg8 : memref<32x1024xf32, #tpu.memory_space<vmem>>) offsets(%arg12 : memref<32xi32, #tpu.memory_space<vmem>>) semaphore(%arg13 : memref<!tpu.dma_semaphore, #tpu.memory_space<semaphore_mem>>)
    %dma_wait3A_22 = arith.constant 0 : i32
    %dma_wait3A_23 = arith.constant 0 : i32
    %dma_wait3A_24 = tpu.memref_slice %arg2[%dma_wait3A_22, %dma_wait3A_23] : memref<6144x1024xf32, #tpu.memory_space<hbm>> -> memref<6144x1024xf32, #tpu.memory_space<hbm>>
    tpu.wait_indirect_dma semaphore(%arg13 : memref<!tpu.dma_semaphore, #tpu.memory_space<semaphore_mem>>) src(%dma_wait3A_24 : memref<6144x1024xf32, #tpu.memory_space<hbm>>) dst(%arg8 : memref<32x1024xf32, #tpu.memory_space<vmem>>)
    "tpu.region"() ({
      %run_scoped3A = tpu.sem_alloc : memref<!tpu.dma_semaphore, #tpu.memory_space<semaphore_mem>>
      %dma_start3A_34 = tpu.memref_slice %arg4[%add3A_18] : memref<2048xi32, #tpu.memory_space<hbm>> -> memref<32xi32, #tpu.memory_space<hbm>>
      %dma_start3A_35 = tpu.memref_slice %arg4[%add3A_18] : memref<2048xi32, #tpu.memory_space<hbm>> -> memref<32xi32, #tpu.memory_space<hbm>>
      tpu.enqueue_dma source(%dma_start3A_35 : memref<32xi32, #tpu.memory_space<hbm>>) target(%arg12 : memref<32xi32, #tpu.memory_space<vmem>>) target_semaphore(%run_scoped3A : memref<!tpu.dma_semaphore, #tpu.memory_space<semaphore_mem>>)
      %dma_wait3A_36 = tpu.memref_slice %arg4[%add3A_18] : memref<2048xi32, #tpu.memory_space<hbm>> -> memref<32xi32, #tpu.memory_space<hbm>>
      %dma_wait3A_37 = tpu.memref_slice %arg4[%add3A_18] : memref<2048xi32, #tpu.memory_space<hbm>> -> memref<32xi32, #tpu.memory_space<hbm>>
      tpu.wait_dma2 semaphore(%run_scoped3A : memref<!tpu.dma_semaphore, #tpu.memory_space<semaphore_mem>>) src(%dma_wait3A_37 : memref<32xi32, #tpu.memory_space<hbm>>) dst(%arg12 : memref<32xi32, #tpu.memory_space<vmem>>)
      tpu.yield
    }) : () -> ()
    %dma_start3A_25 = arith.constant 0 : i32
    %dma_start3A_26 = arith.constant 0 : i32
    %dma_start3A_27 = tpu.memref_slice %arg2[%dma_start3A_25, %dma_start3A_26] : memref<6144x1024xf32, #tpu.memory_space<hbm>> -> memref<6144x1024xf32, #tpu.memory_space<hbm>>
    tpu.enqueue_indirect_dma source(%dma_start3A_27 : memref<6144x1024xf32, #tpu.memory_space<hbm>>) target(%arg9 : memref<32x1024xf32, #tpu.memory_space<vmem>>) offsets(%arg12 : memref<32xi32, #tpu.memory_space<vmem>>) semaphore(%arg13 : memref<!tpu.dma_semaphore, #tpu.memory_space<semaphore_mem>>)
    %dma_wait3A_28 = arith.constant 0 : i32
    %dma_wait3A_29 = arith.constant 0 : i32
    %dma_wait3A_30 = tpu.memref_slice %arg2[%dma_wait3A_28, %dma_wait3A_29] : memref<6144x1024xf32, #tpu.memory_space<hbm>> -> memref<6144x1024xf32, #tpu.memory_space<hbm>>
    tpu.wait_indirect_dma semaphore(%arg13 : memref<!tpu.dma_semaphore, #tpu.memory_space<semaphore_mem>>) src(%dma_wait3A_30 : memref<6144x1024xf32, #tpu.memory_space<hbm>>) dst(%arg9 : memref<32x1024xf32, #tpu.memory_space<vmem>>)
    "tpu.region"() ({
      %run_scoped3A = tpu.sem_alloc : memref<!tpu.dma_semaphore, #tpu.memory_space<semaphore_mem>>
      %dma_start3A_34 = arith.constant 0 : i32
      %dma_start3A_35 = tpu.memref_slice %arg5[%add3A_18, %dma_start3A_34] : memref<2048x16xf32, #tpu.memory_space<hbm>> -> memref<32x16xf32, #tpu.memory_space<hbm>>
      %dma_start3A_36 = arith.constant 0 : i32
      %dma_start3A_37 = tpu.memref_slice %arg5[%add3A_18, %dma_start3A_36] : memref<2048x16xf32, #tpu.memory_space<hbm>> -> memref<32x16xf32, #tpu.memory_space<hbm>>
      tpu.enqueue_dma source(%dma_start3A_37 : memref<32x16xf32, #tpu.memory_space<hbm>>) target(%arg10 : memref<32x16xf32, #tpu.memory_space<vmem>>) target_semaphore(%run_scoped3A : memref<!tpu.dma_semaphore, #tpu.memory_space<semaphore_mem>>)
      %dma_wait3A_38 = arith.constant 0 : i32
      %dma_wait3A_39 = tpu.memref_slice %arg5[%add3A_18, %dma_wait3A_38] : memref<2048x16xf32, #tpu.memory_space<hbm>> -> memref<32x16xf32, #tpu.memory_space<hbm>>
      %dma_wait3A_40 = arith.constant 0 : i32
      %dma_wait3A_41 = tpu.memref_slice %arg5[%add3A_18, %dma_wait3A_40] : memref<2048x16xf32, #tpu.memory_space<hbm>> -> memref<32x16xf32, #tpu.memory_space<hbm>>
      tpu.wait_dma2 semaphore(%run_scoped3A : memref<!tpu.dma_semaphore, #tpu.memory_space<semaphore_mem>>) src(%dma_wait3A_41 : memref<32x16xf32, #tpu.memory_space<hbm>>) dst(%arg10 : memref<32x16xf32, #tpu.memory_space<vmem>>)
      tpu.yield
    }) : () -> ()
    "tpu.region"() ({
      %run_scoped3A = tpu.sem_alloc : memref<!tpu.dma_semaphore, #tpu.memory_space<semaphore_mem>>
      %dma_start3A_34 = arith.constant 0 : i32
      %dma_start3A_35 = tpu.memref_slice %arg6[%add3A_18, %dma_start3A_34] : memref<2048x16xf32, #tpu.memory_space<hbm>> -> memref<32x16xf32, #tpu.memory_space<hbm>>
      %dma_start3A_36 = arith.constant 0 : i32
      %dma_start3A_37 = tpu.memref_slice %arg6[%add3A_18, %dma_start3A_36] : memref<2048x16xf32, #tpu.memory_space<hbm>> -> memref<32x16xf32, #tpu.memory_space<hbm>>
      tpu.enqueue_dma source(%dma_start3A_37 : memref<32x16xf32, #tpu.memory_space<hbm>>) target(%arg11 : memref<32x16xf32, #tpu.memory_space<vmem>>) target_semaphore(%run_scoped3A : memref<!tpu.dma_semaphore, #tpu.memory_space<semaphore_mem>>)
      %dma_wait3A_38 = arith.constant 0 : i32
      %dma_wait3A_39 = tpu.memref_slice %arg6[%add3A_18, %dma_wait3A_38] : memref<2048x16xf32, #tpu.memory_space<hbm>> -> memref<32x16xf32, #tpu.memory_space<hbm>>
      %dma_wait3A_40 = arith.constant 0 : i32
      %dma_wait3A_41 = tpu.memref_slice %arg6[%add3A_18, %dma_wait3A_40] : memref<2048x16xf32, #tpu.memory_space<hbm>> -> memref<32x16xf32, #tpu.memory_space<hbm>>
      tpu.wait_dma2 semaphore(%run_scoped3A : memref<!tpu.dma_semaphore, #tpu.memory_space<semaphore_mem>>) src(%dma_wait3A_41 : memref<32x16xf32, #tpu.memory_space<hbm>>) dst(%arg11 : memref<32x16xf32, #tpu.memory_space<vmem>>)
      tpu.yield
    }) : () -> ()
    %parallel_loop3A_31 = arith.constant 0 : i32
    %parallel_loop3A_32 = arith.constant 2048 : i32
    %parallel_loop3A_33 = arith.constant 1 : i32
    scf.for %parallel_loop3A_34 = %parallel_loop3A_31 to %parallel_loop3A_32 step %parallel_loop3A_33  : i32 {
      %parallel_loop3A_35 = arith.constant 64 : i32
      %parallel_loop3A_36 = arith.divsi %parallel_loop3A_34, %parallel_loop3A_35 : i32
      %parallel_loop3A_37 = arith.constant 0 : i32
      %parallel_loop3A_38 = arith.cmpi sgt, %parallel_loop3A_34, %parallel_loop3A_37 : i32
      %parallel_loop3A_39 = arith.extui %parallel_loop3A_38 : i1 to i32
      %parallel_loop3A_40 = arith.constant 0 : i32
      %parallel_loop3A_41 = arith.cmpi slt, %parallel_loop3A_34, %parallel_loop3A_40 : i32
      %parallel_loop3A_42 = arith.extui %parallel_loop3A_41 : i1 to i32
      %parallel_loop3A_43 = arith.subi %parallel_loop3A_39, %parallel_loop3A_42 : i32
      %parallel_loop3A_44 = arith.constant 0 : i32
      %parallel_loop3A_45 = arith.cmpi sgt, %parallel_loop3A_35, %parallel_loop3A_44 : i32
      %parallel_loop3A_46 = arith.extui %parallel_loop3A_45 : i1 to i32
      %parallel_loop3A_47 = arith.constant 0 : i32
      %parallel_loop3A_48 = arith.cmpi slt, %parallel_loop3A_35, %parallel_loop3A_47 : i32
      %parallel_loop3A_49 = arith.extui %parallel_loop3A_48 : i1 to i32
      %parallel_loop3A_50 = arith.subi %parallel_loop3A_46, %parallel_loop3A_49 : i32
      %parallel_loop3A_51 = arith.cmpi ne, %parallel_loop3A_43, %parallel_loop3A_50 : i32
      %parallel_loop3A_52 = arith.remsi %parallel_loop3A_34, %parallel_loop3A_35 : i32
      %parallel_loop3A_53 = arith.constant 0 : i32
      %parallel_loop3A_54 = arith.cmpi ne, %parallel_loop3A_52, %parallel_loop3A_53 : i32
      %parallel_loop3A_55 = arith.andi %parallel_loop3A_51, %parallel_loop3A_54 : i1
      %parallel_loop3A_56 = arith.constant 1 : i32
      %parallel_loop3A_57 = arith.subi %parallel_loop3A_36, %parallel_loop3A_56 : i32
      %parallel_loop3A_58 = arith.select %parallel_loop3A_55, %parallel_loop3A_57, %parallel_loop3A_36 : i32
      %parallel_loop3A_59 = arith.constant 64 : i32
      %parallel_loop3A_60 = arith.constant 0 : i32
      %parallel_loop3A_61 = arith.cmpi eq, %parallel_loop3A_59, %parallel_loop3A_60 : i32
      %parallel_loop3A_62 = arith.constant 1 : i32
      %parallel_loop3A_63 = arith.select %parallel_loop3A_61, %parallel_loop3A_62, %parallel_loop3A_59 : i32
      %parallel_loop3A_64 = arith.remsi %parallel_loop3A_34, %parallel_loop3A_63 : i32
      %parallel_loop3A_65 = arith.constant 0 : i32
      %parallel_loop3A_66 = arith.cmpi ne, %parallel_loop3A_64, %parallel_loop3A_65 : i32
      %parallel_loop3A_67 = arith.constant 0 : i32
      %parallel_loop3A_68 = arith.cmpi slt, %parallel_loop3A_64, %parallel_loop3A_67 : i32
      %parallel_loop3A_69 = arith.constant 0 : i32
      %parallel_loop3A_70 = arith.cmpi slt, %parallel_loop3A_63, %parallel_loop3A_69 : i32
      %parallel_loop3A_71 = arith.xori %parallel_loop3A_68, %parallel_loop3A_70 : i1
      %parallel_loop3A_72 = arith.andi %parallel_loop3A_71, %parallel_loop3A_66 : i1
      %parallel_loop3A_73 = arith.addi %parallel_loop3A_64, %parallel_loop3A_63 : i32
      %parallel_loop3A_74 = arith.select %parallel_loop3A_72, %parallel_loop3A_73, %parallel_loop3A_64 : i32
      %parallel_loop3A_75 = arith.constant 16 : i32
      %parallel_loop3A_76 = arith.muli %parallel_loop3A_74, %parallel_loop3A_75 : i32
      %parallel_loop3A_77 = arith.index_cast %parallel_loop3A_58 : i32 to index
      %parallel_loop3A_78 = arith.index_cast %parallel_loop3A_76 : i32 to index
      %parallel_loop3A_79 = tpu.vector_load %arg8[%parallel_loop3A_77, %parallel_loop3A_78] {strides = array<i32>} : memref<32x1024xf32, #tpu.memory_space<vmem>>, vector<1x16xf32>,
      %parallel_loop3A_80 = vector.shape_cast %parallel_loop3A_79 : vector<1x16xf32> to vector<16xf32>
      %parallel_loop3A_81 = arith.index_cast %parallel_loop3A_58 : i32 to index
      %parallel_loop3A_82 = arith.constant 0 : index
      %parallel_loop3A_83 = tpu.vector_load %arg10[%parallel_loop3A_81, %parallel_loop3A_82] {strides = array<i32>} : memref<32x16xf32, #tpu.memory_space<vmem>>, vector<1x16xf32>,
      %parallel_loop3A_84 = vector.shape_cast %parallel_loop3A_83 : vector<1x16xf32> to vector<16xf32>
      %parallel_loop3A_85 = arith.mulf %parallel_loop3A_80, %parallel_loop3A_84 : vector<16xf32>
      %parallel_loop3A_86 = arith.index_cast %parallel_loop3A_58 : i32 to index
      %parallel_loop3A_87 = arith.index_cast %parallel_loop3A_76 : i32 to index
      %parallel_loop3A_88 = tpu.vector_load %arg9[%parallel_loop3A_86, %parallel_loop3A_87] {strides = array<i32>} : memref<32x1024xf32, #tpu.memory_space<vmem>>, vector<1x16xf32>,
      %parallel_loop3A_89 = vector.shape_cast %parallel_loop3A_88 : vector<1x16xf32> to vector<16xf32>
      %parallel_loop3A_90 = arith.index_cast %parallel_loop3A_58 : i32 to index
      %parallel_loop3A_91 = arith.constant 0 : index
      %parallel_loop3A_92 = tpu.vector_load %arg11[%parallel_loop3A_90, %parallel_loop3A_91] {strides = array<i32>} : memref<32x16xf32, #tpu.memory_space<vmem>>, vector<1x16xf32>,
      %parallel_loop3A_93 = vector.shape_cast %parallel_loop3A_92 : vector<1x16xf32> to vector<16xf32>
      %parallel_loop3A_94 = arith.mulf %parallel_loop3A_89, %parallel_loop3A_93 : vector<16xf32>
      %parallel_loop3A_95 = arith.addf %parallel_loop3A_85, %parallel_loop3A_94 : vector<16xf32>
      %parallel_loop3A_96 = arith.index_cast %parallel_loop3A_58 : i32 to index
      %parallel_loop3A_97 = arith.index_cast %parallel_loop3A_76 : i32 to index
      %parallel_loop3A_98 = tpu.vector_load %arg8[%parallel_loop3A_96, %parallel_loop3A_97] {strides = array<i32>} : memref<32x1024xf32, #tpu.memory_space<vmem>>, vector<1x16xf32>,
      %parallel_loop3A_99 = vector.shape_cast %parallel_loop3A_98 : vector<1x16xf32> to vector<16xf32>
      %parallel_loop3A_100 = vector.shape_cast %parallel_loop3A_95 : vector<16xf32> to vector<1x16xf32>
      tpu.vector_store %arg8[%parallel_loop3A_96, %parallel_loop3A_97], %parallel_loop3A_100 {strides = array<i32>} : memref<32x1024xf32, #tpu.memory_space<vmem>>, vector<1x16xf32>,
    } {sc.loop_unroll_factor = 8 : i64, sc.parallel_access}
    "tpu.region"() ({
      %run_scoped3A = tpu.sem_alloc : memref<!tpu.dma_semaphore, #tpu.memory_space<semaphore_mem>>
      %dma_start3A_34 = arith.constant 0 : i32
      %dma_start3A_35 = tpu.memref_slice %arg7[%add3A_18, %dma_start3A_34] : memref<2048x1024xf32, #tpu.memory_space<hbm>> -> memref<32x1024xf32, #tpu.memory_space<hbm>>
      %dma_start3A_36 = arith.constant 0 : i32
      %dma_start3A_37 = tpu.memref_slice %arg7[%add3A_18, %dma_start3A_36] : memref<2048x1024xf32, #tpu.memory_space<hbm>> -> memref<32x1024xf32, #tpu.memory_space<hbm>>
      tpu.enqueue_dma source(%arg8 : memref<32x1024xf32, #tpu.memory_space<vmem>>) target(%dma_start3A_37 : memref<32x1024xf32, #tpu.memory_space<hbm>>) target_semaphore(%run_scoped3A : memref<!tpu.dma_semaphore, #tpu.memory_space<semaphore_mem>>)
      %dma_wait3A_38 = arith.constant 0 : i32
      %dma_wait3A_39 = tpu.memref_slice %arg7[%add3A_18, %dma_wait3A_38] : memref<2048x1024xf32, #tpu.memory_space<hbm>> -> memref<32x1024xf32, #tpu.memory_space<hbm>>
      %dma_wait3A_40 = arith.constant 0 : i32
      %dma_wait3A_41 = tpu.memref_slice %arg7[%add3A_18, %dma_wait3A_40] : memref<2048x1024xf32, #tpu.memory_space<hbm>> -> memref<32x1024xf32, #tpu.memory_space<hbm>>
      tpu.wait_dma2 semaphore(%run_scoped3A : memref<!tpu.dma_semaphore, #tpu.memory_space<semaphore_mem>>) src(%arg8 : memref<32x1024xf32, #tpu.memory_space<vmem>>) dst(%dma_wait3A_41 : memref<32x1024xf32, #tpu.memory_space<hbm>>)
      tpu.yield
    }) : () -> ()
    return
  }
}

#map = affine_map<(d0, d1) -> (0, 0)>
#map1 = affine_map<(d0, d1) -> (0)>
module attributes {stable_mosaic.version = 14 : i64} {
  func.func @_dispatch_body(%arg0: i32, %arg1: i32, %arg2: memref<2048x1024xf32, #tpu.memory_space<hbm>>, %arg3: memref<2048xi32, #tpu.memory_space<hbm>>, %arg4: memref<2048xi32, #tpu.memory_space<hbm>>, %arg5: memref<6144x1024xf32, #tpu.memory_space<hbm>>, %arg6: memref<64x1024xf32, #tpu.memory_space<vmem>>, %arg7: memref<64xi32, #tpu.memory_space<vmem>>, %arg8: memref<!tpu.dma_semaphore, #tpu.memory_space<semaphore_mem>>) attributes {dimension_semantics = [#tpu.dimension_semantics<core_parallel>, #tpu.dimension_semantics<subcore_parallel>], iteration_bounds = array<i64: 2, 16>, scalar_prefetch = 0 : i64, scratch_operands = 3 : i64, tpu.core_type = #tpu.core_type<sc_vector_subcore>, window_params = [{transform_indices = #map}, {transform_indices = #map1}, {transform_indices = #map1}, {transform_indices = #map}]} {
    %mul3A = arith.constant 2 : i32
    %mul3A_0 = arith.muli %arg1, %mul3A : i32
    %add3A = arith.addi %mul3A_0, %arg0 : i32
    %mul3A_1 = arith.constant 64 : i32
    %mul3A_2 = arith.muli %add3A, %mul3A_1 : i32
    "tpu.region"() ({
      %run_scoped3A = tpu.sem_alloc : memref<!tpu.dma_semaphore, #tpu.memory_space<semaphore_mem>>
      %dma_start3A_13 = arith.constant 0 : i32
      %dma_start3A_14 = tpu.memref_slice %arg2[%mul3A_2, %dma_start3A_13] : memref<2048x1024xf32, #tpu.memory_space<hbm>> -> memref<64x1024xf32, #tpu.memory_space<hbm>>
      %dma_start3A_15 = arith.constant 0 : i32
      %dma_start3A_16 = tpu.memref_slice %arg2[%mul3A_2, %dma_start3A_15] : memref<2048x1024xf32, #tpu.memory_space<hbm>> -> memref<64x1024xf32, #tpu.memory_space<hbm>>
      tpu.enqueue_dma source(%dma_start3A_16 : memref<64x1024xf32, #tpu.memory_space<hbm>>) target(%arg6 : memref<64x1024xf32, #tpu.memory_space<vmem>>) target_semaphore(%run_scoped3A : memref<!tpu.dma_semaphore, #tpu.memory_space<semaphore_mem>>)
      %dma_wait3A_17 = arith.constant 0 : i32
      %dma_wait3A_18 = tpu.memref_slice %arg2[%mul3A_2, %dma_wait3A_17] : memref<2048x1024xf32, #tpu.memory_space<hbm>> -> memref<64x1024xf32, #tpu.memory_space<hbm>>
      %dma_wait3A_19 = arith.constant 0 : i32
      %dma_wait3A_20 = tpu.memref_slice %arg2[%mul3A_2, %dma_wait3A_19] : memref<2048x1024xf32, #tpu.memory_space<hbm>> -> memref<64x1024xf32, #tpu.memory_space<hbm>>
      tpu.wait_dma2 semaphore(%run_scoped3A : memref<!tpu.dma_semaphore, #tpu.memory_space<semaphore_mem>>) src(%dma_wait3A_20 : memref<64x1024xf32, #tpu.memory_space<hbm>>) dst(%arg6 : memref<64x1024xf32, #tpu.memory_space<vmem>>)
      tpu.yield
    }) : () -> ()
    "tpu.region"() ({
      %run_scoped3A = tpu.sem_alloc : memref<!tpu.dma_semaphore, #tpu.memory_space<semaphore_mem>>
      %dma_start3A_13 = tpu.memref_slice %arg3[%mul3A_2] : memref<2048xi32, #tpu.memory_space<hbm>> -> memref<64xi32, #tpu.memory_space<hbm>>
      %dma_start3A_14 = tpu.memref_slice %arg3[%mul3A_2] : memref<2048xi32, #tpu.memory_space<hbm>> -> memref<64xi32, #tpu.memory_space<hbm>>
      tpu.enqueue_dma source(%dma_start3A_14 : memref<64xi32, #tpu.memory_space<hbm>>) target(%arg7 : memref<64xi32, #tpu.memory_space<vmem>>) target_semaphore(%run_scoped3A : memref<!tpu.dma_semaphore, #tpu.memory_space<semaphore_mem>>)
      %dma_wait3A_15 = tpu.memref_slice %arg3[%mul3A_2] : memref<2048xi32, #tpu.memory_space<hbm>> -> memref<64xi32, #tpu.memory_space<hbm>>
      %dma_wait3A_16 = tpu.memref_slice %arg3[%mul3A_2] : memref<2048xi32, #tpu.memory_space<hbm>> -> memref<64xi32, #tpu.memory_space<hbm>>
      tpu.wait_dma2 semaphore(%run_scoped3A : memref<!tpu.dma_semaphore, #tpu.memory_space<semaphore_mem>>) src(%dma_wait3A_16 : memref<64xi32, #tpu.memory_space<hbm>>) dst(%arg7 : memref<64xi32, #tpu.memory_space<vmem>>)
      tpu.yield
    }) : () -> ()
    %dma_start3A = arith.constant 0 : i32
    %dma_start3A_3 = arith.constant 0 : i32
    %dma_start3A_4 = tpu.memref_slice %arg5[%dma_start3A, %dma_start3A_3] : memref<6144x1024xf32, #tpu.memory_space<hbm>> -> memref<6144x1024xf32, #tpu.memory_space<hbm>>
    tpu.enqueue_indirect_dma source(%arg6 : memref<64x1024xf32, #tpu.memory_space<vmem>>) target(%dma_start3A_4 : memref<6144x1024xf32, #tpu.memory_space<hbm>>) offsets(%arg7 : memref<64xi32, #tpu.memory_space<vmem>>) semaphore(%arg8 : memref<!tpu.dma_semaphore, #tpu.memory_space<semaphore_mem>>)
    %dma_wait3A = arith.constant 0 : i32
    %dma_wait3A_5 = arith.constant 0 : i32
    %dma_wait3A_6 = tpu.memref_slice %arg5[%dma_wait3A, %dma_wait3A_5] : memref<6144x1024xf32, #tpu.memory_space<hbm>> -> memref<6144x1024xf32, #tpu.memory_space<hbm>>
    tpu.wait_indirect_dma semaphore(%arg8 : memref<!tpu.dma_semaphore, #tpu.memory_space<semaphore_mem>>) src(%arg6 : memref<64x1024xf32, #tpu.memory_space<vmem>>) dst(%dma_wait3A_6 : memref<6144x1024xf32, #tpu.memory_space<hbm>>)
    "tpu.region"() ({
      %run_scoped3A = tpu.sem_alloc : memref<!tpu.dma_semaphore, #tpu.memory_space<semaphore_mem>>
      %dma_start3A_13 = tpu.memref_slice %arg4[%mul3A_2] : memref<2048xi32, #tpu.memory_space<hbm>> -> memref<64xi32, #tpu.memory_space<hbm>>
      %dma_start3A_14 = tpu.memref_slice %arg4[%mul3A_2] : memref<2048xi32, #tpu.memory_space<hbm>> -> memref<64xi32, #tpu.memory_space<hbm>>
      tpu.enqueue_dma source(%dma_start3A_14 : memref<64xi32, #tpu.memory_space<hbm>>) target(%arg7 : memref<64xi32, #tpu.memory_space<vmem>>) target_semaphore(%run_scoped3A : memref<!tpu.dma_semaphore, #tpu.memory_space<semaphore_mem>>)
      %dma_wait3A_15 = tpu.memref_slice %arg4[%mul3A_2] : memref<2048xi32, #tpu.memory_space<hbm>> -> memref<64xi32, #tpu.memory_space<hbm>>
      %dma_wait3A_16 = tpu.memref_slice %arg4[%mul3A_2] : memref<2048xi32, #tpu.memory_space<hbm>> -> memref<64xi32, #tpu.memory_space<hbm>>
      tpu.wait_dma2 semaphore(%run_scoped3A : memref<!tpu.dma_semaphore, #tpu.memory_space<semaphore_mem>>) src(%dma_wait3A_16 : memref<64xi32, #tpu.memory_space<hbm>>) dst(%arg7 : memref<64xi32, #tpu.memory_space<vmem>>)
      tpu.yield
    }) : () -> ()
    %dma_start3A_7 = arith.constant 0 : i32
    %dma_start3A_8 = arith.constant 0 : i32
    %dma_start3A_9 = tpu.memref_slice %arg5[%dma_start3A_7, %dma_start3A_8] : memref<6144x1024xf32, #tpu.memory_space<hbm>> -> memref<6144x1024xf32, #tpu.memory_space<hbm>>
    tpu.enqueue_indirect_dma source(%arg6 : memref<64x1024xf32, #tpu.memory_space<vmem>>) target(%dma_start3A_9 : memref<6144x1024xf32, #tpu.memory_space<hbm>>) offsets(%arg7 : memref<64xi32, #tpu.memory_space<vmem>>) semaphore(%arg8 : memref<!tpu.dma_semaphore, #tpu.memory_space<semaphore_mem>>)
    %dma_wait3A_10 = arith.constant 0 : i32
    %dma_wait3A_11 = arith.constant 0 : i32
    %dma_wait3A_12 = tpu.memref_slice %arg5[%dma_wait3A_10, %dma_wait3A_11] : memref<6144x1024xf32, #tpu.memory_space<hbm>> -> memref<6144x1024xf32, #tpu.memory_space<hbm>>
    tpu.wait_indirect_dma semaphore(%arg8 : memref<!tpu.dma_semaphore, #tpu.memory_space<semaphore_mem>>) src(%arg6 : memref<64x1024xf32, #tpu.memory_space<vmem>>) dst(%dma_wait3A_12 : memref<6144x1024xf32, #tpu.memory_space<hbm>>)
    return
  }
}

module attributes {stable_mosaic.version = 14 : i64} {
  func.func @_mm_body(%arg0: i32, %arg1: memref<24xi32, #tpu.memory_space<smem>>, %arg2: memref<24xi32, #tpu.memory_space<smem>>, %arg3: memref<256x1024xf32, #tpu.memory_space<vmem>>, %arg4: memref<1x2048x1024xbf16, #tpu.memory_space<vmem>>, %arg5: memref<1x2048x1024xbf16, #tpu.memory_space<vmem>>, %arg6: memref<1x1024x2048xbf16, #tpu.memory_space<vmem>>, %arg7: memref<256x1024xf32, #tpu.memory_space<vmem>>) attributes {dimension_semantics = [#tpu.dimension_semantics<arbitrary>], iteration_bounds = array<i64: 24>, scalar_prefetch = 2 : i64, scratch_operands = 0 : i64, tpu.core_type = #tpu.core_type<tc>, window_params = [{transform_indices = @transform_0, window_bounds = array<i64: 256, 1024>}, {transform_indices = @transform_1, window_bounds = array<i64: 1, 2048, 1024>}, {transform_indices = @transform_2, window_bounds = array<i64: 1, 2048, 1024>}, {transform_indices = @transform_3, window_bounds = array<i64: 1, 1024, 2048>}, {transform_indices = @transform_4, window_bounds = array<i64: 256, 1024>}]} {
    %get3A = arith.index_cast %arg0 : i32 to index
    %get3A_0 = memref.load %arg2[%get3A] : memref<24xi32, #tpu.memory_space<smem>>
    %eq3A = arith.constant 1 : i32
    %eq3A_1 = arith.cmpi eq, %get3A_0, %eq3A : i32
    %convert_element_type3A = arith.extui %eq3A_1 : i1 to i32
    %cond3A = arith.constant 0 : i32
    %cond3A_2 = arith.cmpi ne, %convert_element_type3A, %cond3A : i32
    scf.if %cond3A_2 {
      %get3A_3 = arith.constant 0 : index
      %get3A_4 = arith.constant 0 : index
      %get3A_5 = vector.load %arg3[%get3A_3, %get3A_4] : memref<256x1024xf32, #tpu.memory_space<vmem>>, vector<256x1024xf32>
      %convert_element_type3A_6 = arith.truncf %get3A_5 : vector<256x1024xf32> to vector<256x1024xbf16>
      %get3A_7 = arith.constant 0 : index
      %get3A_8 = arith.constant 0 : index
      %get3A_9 = arith.constant 0 : index
      %get3A_10 = vector.load %arg4[%get3A_7, %get3A_8, %get3A_9] : memref<1x2048x1024xbf16, #tpu.memory_space<vmem>>, vector<1x2048x1024xbf16>
      %get3A_11 = vector.shape_cast %get3A_10 : vector<1x2048x1024xbf16> to vector<2048x1024xbf16>
      %dot_general3A = arith.constant dense<0.000000e+00> : vector<256x2048xf32>
      %dot_general3A_12 = tpu.matmul %convert_element_type3A_6, %get3A_11, %dot_general3A {dimension_numbers = #tpu.dot_dimension_numbers<[1], [1], [0], [0], [0, 0, 1, 0], [], []>, transpose_lhs_hint = false} : vector<256x1024xbf16>, vector<2048x1024xbf16>, vector<256x2048xf32> -> vector<256x2048xf32>
      %get3A_13 = arith.constant 0 : index
      %get3A_14 = arith.constant 0 : index
      %get3A_15 = arith.constant 0 : index
      %get3A_16 = vector.load %arg5[%get3A_13, %get3A_14, %get3A_15] : memref<1x2048x1024xbf16, #tpu.memory_space<vmem>>, vector<1x2048x1024xbf16>
      %get3A_17 = vector.shape_cast %get3A_16 : vector<1x2048x1024xbf16> to vector<2048x1024xbf16>
      %dot_general3A_18 = arith.constant dense<0.000000e+00> : vector<256x2048xf32>
      %dot_general3A_19 = tpu.matmul %convert_element_type3A_6, %get3A_17, %dot_general3A_18 {dimension_numbers = #tpu.dot_dimension_numbers<[1], [1], [0], [0], [0, 0, 1, 0], [], []>, transpose_lhs_hint = false} : vector<256x1024xbf16>, vector<2048x1024xbf16>, vector<256x2048xf32> -> vector<256x2048xf32>
      %logistic3A = arith.negf %dot_general3A_12 : vector<256x2048xf32>
      %logistic3A_20 = math.exp %logistic3A : vector<256x2048xf32>
      %logistic3A_21 = arith.constant 1.000000e+00 : f32
      %logistic3A_22 = vector.broadcast %logistic3A_21 : f32 to vector<256x2048xf32>
      %logistic3A_23 = arith.addf %logistic3A_22, %logistic3A_20 : vector<256x2048xf32>
      %logistic3A_24 = arith.divf %logistic3A_22, %logistic3A_23 : vector<256x2048xf32>
      %mul3A = arith.mulf %dot_general3A_12, %logistic3A_24 : vector<256x2048xf32>
      %mul3A_25 = arith.mulf %mul3A, %dot_general3A_19 : vector<256x2048xf32>
      %convert_element_type3A_26 = arith.truncf %mul3A_25 : vector<256x2048xf32> to vector<256x2048xbf16>
      %get3A_27 = arith.constant 0 : index
      %get3A_28 = arith.constant 0 : index
      %get3A_29 = arith.constant 0 : index
      %get3A_30 = vector.load %arg6[%get3A_27, %get3A_28, %get3A_29] : memref<1x1024x2048xbf16, #tpu.memory_space<vmem>>, vector<1x1024x2048xbf16>
      %get3A_31 = vector.shape_cast %get3A_30 : vector<1x1024x2048xbf16> to vector<1024x2048xbf16>
      %dot_general3A_32 = arith.constant dense<0.000000e+00> : vector<256x1024xf32>
      %dot_general3A_33 = tpu.matmul %convert_element_type3A_26, %get3A_31, %dot_general3A_32 {dimension_numbers = #tpu.dot_dimension_numbers<[1], [1], [0], [0], [0, 0, 1, 0], [], []>, transpose_lhs_hint = false} : vector<256x2048xbf16>, vector<1024x2048xbf16>, vector<256x1024xf32> -> vector<256x1024xf32>
      %swap3A = arith.constant 0 : index
      %swap3A_34 = arith.constant 0 : index
      %swap3A_35 = vector.load %arg7[%swap3A, %swap3A_34] : memref<256x1024xf32, #tpu.memory_space<vmem>>, vector<256x1024xf32>
      tpu.vector_store %arg7[%swap3A, %swap3A_34], %dot_general3A_33 {strides = array<i32>} : memref<256x1024xf32, #tpu.memory_space<vmem>>, vector<256x1024xf32>,
    } else {
    }
    return
  }
  func.func @transform_0(%arg0: i32, %arg1: memref<24xi32, #tpu.memory_space<smem>>, %arg2: memref<24xi32, #tpu.memory_space<smem>>) -> (i32, i32) {
    %c0_i32 = arith.constant 0 : i32
    %c0_i32_0 = arith.constant 0 : i32
    return %arg0, %c0_i32 : i32, i32
  }
  func.func @transform_1(%arg0: i32, %arg1: memref<24xi32, #tpu.memory_space<smem>>, %arg2: memref<24xi32, #tpu.memory_space<smem>>) -> (i32, i32, i32) {
    %get3A = arith.index_cast %arg0 : i32 to index
    %get3A_0 = memref.load %arg1[%get3A] : memref<24xi32, #tpu.memory_space<smem>>
    %c0_i32 = arith.constant 0 : i32
    %c0_i32_1 = arith.constant 0 : i32
    %c0_i32_2 = arith.constant 0 : i32
    return %get3A_0, %c0_i32, %c0_i32_1 : i32, i32, i32
  }
  func.func @transform_2(%arg0: i32, %arg1: memref<24xi32, #tpu.memory_space<smem>>, %arg2: memref<24xi32, #tpu.memory_space<smem>>) -> (i32, i32, i32) {
    %get3A = arith.index_cast %arg0 : i32 to index
    %get3A_0 = memref.load %arg1[%get3A] : memref<24xi32, #tpu.memory_space<smem>>
    %c0_i32 = arith.constant 0 : i32
    %c0_i32_1 = arith.constant 0 : i32
    %c0_i32_2 = arith.constant 0 : i32
    return %get3A_0, %c0_i32, %c0_i32_1 : i32, i32, i32
  }
  func.func @transform_3(%arg0: i32, %arg1: memref<24xi32, #tpu.memory_space<smem>>, %arg2: memref<24xi32, #tpu.memory_space<smem>>) -> (i32, i32, i32) {
    %get3A = arith.index_cast %arg0 : i32 to index
    %get3A_0 = memref.load %arg1[%get3A] : memref<24xi32, #tpu.memory_space<smem>>
    %c0_i32 = arith.constant 0 : i32
    %c0_i32_1 = arith.constant 0 : i32
    %c0_i32_2 = arith.constant 0 : i32
    return %get3A_0, %c0_i32, %c0_i32_1 : i32, i32, i32
  }
  func.func @transform_4(%arg0: i32, %arg1: memref<24xi32, #tpu.memory_space<smem>>, %arg2: memref<24xi32, #tpu.memory_space<smem>>) -> (i32, i32) {
    %c0_i32 = arith.constant 0 : i32
    %c0_i32_0 = arith.constant 0 : i32
    return %arg0, %c0_i32 : i32, i32
  }
}

module attributes {stable_mosaic.version = 14 : i64} {
  func.func @_router_body(%arg0: memref<2048x1024xbf16, #tpu.memory_space<vmem>>, %arg1: memref<8x1024xbf16, #tpu.memory_space<vmem>>, %arg2: memref<2048x8xbf16, #tpu.memory_space<vmem>>, %arg3: memref<2048x1024xf32, #tpu.memory_space<vmem>>, %arg4: memref<2048x1xi32, #tpu.memory_space<vmem>>, %arg5: memref<2048x1xi32, #tpu.memory_space<vmem>>, %arg6: memref<2048x16xf32, #tpu.memory_space<vmem>>, %arg7: memref<2048x16xf32, #tpu.memory_space<vmem>>, %arg8: memref<24x1xi32, #tpu.memory_space<vmem>>, %arg9: memref<24x1xi32, #tpu.memory_space<vmem>>) attributes {dimension_semantics = [], scalar_prefetch = 0 : i64, scratch_operands = 0 : i64, tpu.core_type = #tpu.core_type<tc>} {
    %get3A = arith.constant 0 : index
    %get3A_0 = arith.constant 0 : index
    %get3A_1 = vector.load %arg0[%get3A, %get3A_0] : memref<2048x1024xbf16, #tpu.memory_space<vmem>>, vector<2048x1024xbf16>
    %convert_element_type3A = arith.extf %get3A_1 : vector<2048x1024xbf16> to vector<2048x1024xf32>
    %swap3A = arith.constant 0 : index
    %swap3A_2 = arith.constant 0 : index
    %swap3A_3 = vector.load %arg3[%swap3A, %swap3A_2] : memref<2048x1024xf32, #tpu.memory_space<vmem>>, vector<2048x1024xf32>
    tpu.vector_store %arg3[%swap3A, %swap3A_2], %convert_element_type3A {strides = array<i32>} : memref<2048x1024xf32, #tpu.memory_space<vmem>>, vector<2048x1024xf32>,
    %get3A_4 = arith.constant 0 : index
    %get3A_5 = arith.constant 0 : index
    %get3A_6 = vector.load %arg1[%get3A_4, %get3A_5] : memref<8x1024xbf16, #tpu.memory_space<vmem>>, vector<8x1024xbf16>
    %dot_general3A = arith.constant dense<0.000000e+00> : vector<2048x8xf32>
    %dot_general3A_7 = tpu.matmul %get3A_1, %get3A_6, %dot_general3A {dimension_numbers = #tpu.dot_dimension_numbers<[1], [1], [0], [0], [0, 0, 1, 0], [], []>, transpose_lhs_hint = false} : vector<2048x1024xbf16>, vector<8x1024xbf16>, vector<2048x8xf32> -> vector<2048x8xf32>
    %convert_element_type3A_8 = arith.truncf %dot_general3A_7 : vector<2048x8xf32> to vector<2048x8xbf16>
    %swap3A_9 = arith.constant 0 : index
    %swap3A_10 = arith.constant 0 : index
    %swap3A_11 = vector.load %arg2[%swap3A_9, %swap3A_10] : memref<2048x8xbf16, #tpu.memory_space<vmem>>, vector<2048x8xbf16>
    tpu.vector_store %arg2[%swap3A_9, %swap3A_10], %convert_element_type3A_8 {strides = array<i32>} : memref<2048x8xbf16, #tpu.memory_space<vmem>>, vector<2048x8xbf16>,
    %convert_element_type3A_12 = arith.extf %convert_element_type3A_8 : vector<2048x8xbf16> to vector<2048x8xf32>
    %reduce_max3A = arith.constant dense<0xFF800000> : vector<2048xf32>
    %reduce_max3A_13 = vector.multi_reduction <maximumf>, %convert_element_type3A_12, %reduce_max3A [1] : vector<2048x8xf32> to vector<2048xf32>
    %broadcast_in_dim3A = vector.shape_cast %reduce_max3A_13 : vector<2048xf32> to vector<2048x1xf32>
    %sub3A = vector.broadcast %broadcast_in_dim3A : vector<2048x1xf32> to vector<2048x8xf32>
    %sub3A_14 = arith.subf %convert_element_type3A_12, %sub3A : vector<2048x8xf32>
    %exp3A = math.exp %sub3A_14 : vector<2048x8xf32>
    %reduce_sum3A = arith.constant dense<0.000000e+00> : vector<2048xf32>
    %reduce_sum3A_15 = vector.multi_reduction <add>, %exp3A, %reduce_sum3A [1] : vector<2048x8xf32> to vector<2048xf32>
    %broadcast_in_dim3A_16 = vector.shape_cast %reduce_sum3A_15 : vector<2048xf32> to vector<2048x1xf32>
    %div3A = vector.broadcast %broadcast_in_dim3A_16 : vector<2048x1xf32> to vector<2048x8xf32>
    %div3A_17 = arith.divf %exp3A, %div3A : vector<2048x8xf32>
    %iota3A = tpu.iota {dimensions = array<i32: 1>} : vector<2048x8xi32>
    %reduce_max3A_18 = arith.constant dense<0xFF800000> : vector<2048xf32>
    %reduce_max3A_19 = vector.multi_reduction <maximumf>, %div3A_17, %reduce_max3A_18 [1] : vector<2048x8xf32> to vector<2048xf32>
    %broadcast_in_dim3A_20 = vector.shape_cast %reduce_max3A_19 : vector<2048xf32> to vector<2048x1xf32>
    %eq3A = vector.broadcast %broadcast_in_dim3A_20 : vector<2048x1xf32> to vector<2048x8xf32>
    %eq3A_21 = arith.cmpf oeq, %div3A_17, %eq3A : vector<2048x8xf32>
    %jit3A = arith.constant 8 : i32
    %broadcast_in_dim3A_22 = vector.broadcast %jit3A : i32 to vector<2048x8xi32>
    %select_n3A = arith.select %eq3A_21, %iota3A, %broadcast_in_dim3A_22 : vector<2048x8xi1>, vector<2048x8xi32>
    %reduce_min3A = arith.constant dense<2147483647> : vector<2048xi32>
    %reduce_min3A_23 = vector.multi_reduction <minsi>, %select_n3A, %reduce_min3A [1] : vector<2048x8xi32> to vector<2048xi32>
    %broadcast_in_dim3A_24 = vector.shape_cast %reduce_min3A_23 : vector<2048xi32> to vector<2048x1xi32>
    %eq3A_25 = vector.broadcast %broadcast_in_dim3A_24 : vector<2048x1xi32> to vector<2048x8xi32>
    %eq3A_26 = arith.cmpi eq, %iota3A, %eq3A_25 : vector<2048x8xi32>
    %jit3A_27 = arith.constant -1.000000e+00 : f32
    %broadcast_in_dim3A_28 = vector.broadcast %jit3A_27 : f32 to vector<2048x8xf32>
    %select_n3A_29 = arith.select %eq3A_26, %broadcast_in_dim3A_28, %div3A_17 : vector<2048x8xi1>, vector<2048x8xf32>
    %reduce_max3A_30 = arith.constant dense<0xFF800000> : vector<2048xf32>
    %reduce_max3A_31 = vector.multi_reduction <maximumf>, %select_n3A_29, %reduce_max3A_30 [1] : vector<2048x8xf32> to vector<2048xf32>
    %broadcast_in_dim3A_32 = vector.shape_cast %reduce_max3A_31 : vector<2048xf32> to vector<2048x1xf32>
    %eq3A_33 = vector.broadcast %broadcast_in_dim3A_32 : vector<2048x1xf32> to vector<2048x8xf32>
    %eq3A_34 = arith.cmpf oeq, %select_n3A_29, %eq3A_33 : vector<2048x8xf32>
    %jit3A_35 = arith.constant 8 : i32
    %broadcast_in_dim3A_36 = vector.broadcast %jit3A_35 : i32 to vector<2048x8xi32>
    %select_n3A_37 = arith.select %eq3A_34, %iota3A, %broadcast_in_dim3A_36 : vector<2048x8xi1>, vector<2048x8xi32>
    %reduce_min3A_38 = arith.constant dense<2147483647> : vector<2048xi32>
    %reduce_min3A_39 = vector.multi_reduction <minsi>, %select_n3A_37, %reduce_min3A_38 [1] : vector<2048x8xi32> to vector<2048xi32>
    %broadcast_in_dim3A_40 = vector.shape_cast %reduce_min3A_39 : vector<2048xi32> to vector<2048x1xi32>
    %add3A = arith.addf %broadcast_in_dim3A_20, %broadcast_in_dim3A_32 : vector<2048x1xf32>
    %div3A_41 = arith.divf %broadcast_in_dim3A_20, %add3A : vector<2048x1xf32>
    %div3A_42 = arith.divf %broadcast_in_dim3A_32, %add3A : vector<2048x1xf32>
    %broadcast_in_dim3A_43 = vector.shape_cast %div3A_41 : vector<2048x1xf32> to vector<2048x1xf32>
    %broadcast_in_dim3A_44 = vector.broadcast %broadcast_in_dim3A_43 : vector<2048x1xf32> to vector<2048x16xf32>
    %swap3A_45 = arith.constant 0 : index
    %swap3A_46 = arith.constant 0 : index
    %swap3A_47 = vector.load %arg6[%swap3A_45, %swap3A_46] : memref<2048x16xf32, #tpu.memory_space<vmem>>, vector<2048x16xf32>
    tpu.vector_store %arg6[%swap3A_45, %swap3A_46], %broadcast_in_dim3A_44 {strides = array<i32>} : memref<2048x16xf32, #tpu.memory_space<vmem>>, vector<2048x16xf32>,
    %broadcast_in_dim3A_48 = vector.shape_cast %div3A_42 : vector<2048x1xf32> to vector<2048x1xf32>
    %broadcast_in_dim3A_49 = vector.broadcast %broadcast_in_dim3A_48 : vector<2048x1xf32> to vector<2048x16xf32>
    %swap3A_50 = arith.constant 0 : index
    %swap3A_51 = arith.constant 0 : index
    %swap3A_52 = vector.load %arg7[%swap3A_50, %swap3A_51] : memref<2048x16xf32, #tpu.memory_space<vmem>>, vector<2048x16xf32>
    tpu.vector_store %arg7[%swap3A_50, %swap3A_51], %broadcast_in_dim3A_49 {strides = array<i32>} : memref<2048x16xf32, #tpu.memory_space<vmem>>, vector<2048x16xf32>,
    %eq3A_53 = vector.broadcast %broadcast_in_dim3A_24 : vector<2048x1xi32> to vector<2048x8xi32>
    %eq3A_54 = arith.cmpi eq, %iota3A, %eq3A_53 : vector<2048x8xi32>
    %convert_element_type3A_55 = arith.extui %eq3A_54 : vector<2048x8xi1> to vector<2048x8xi32>
    %convert_element_type3A_56 = arith.sitofp %convert_element_type3A_55 : vector<2048x8xi32> to vector<2048x8xf32>
    %eq3A_57 = vector.broadcast %broadcast_in_dim3A_40 : vector<2048x1xi32> to vector<2048x8xi32>
    %eq3A_58 = arith.cmpi eq, %iota3A, %eq3A_57 : vector<2048x8xi32>
    %convert_element_type3A_59 = arith.extui %eq3A_58 : vector<2048x8xi1> to vector<2048x8xi32>
    %convert_element_type3A_60 = arith.sitofp %convert_element_type3A_59 : vector<2048x8xi32> to vector<2048x8xf32>
    %broadcast_in_dim3A_61 = arith.constant 0.000000e+00 : f32
    %broadcast_in_dim3A_62 = vector.broadcast %broadcast_in_dim3A_61 : f32 to vector<1x8xf32>
    %slice3A = vector.extract_strided_slice %convert_element_type3A_56 {offsets = [0, 0], sizes = [2047, 8], strides = [1, 1]} : vector<2048x8xf32> to vector<2047x8xf32>
    %concatenate3A = tpu.concatenate %broadcast_in_dim3A_62, %slice3A in 0 : vector<1x8xf32>, vector<2047x8xf32> -> vector<2048x8xf32>
    %add3A_63 = arith.addf %convert_element_type3A_56, %concatenate3A : vector<2048x8xf32>
    %broadcast_in_dim3A_64 = arith.constant 0.000000e+00 : f32
    %broadcast_in_dim3A_65 = vector.broadcast %broadcast_in_dim3A_64 : f32 to vector<2x8xf32>
    %slice3A_66 = vector.extract_strided_slice %add3A_63 {offsets = [0, 0], sizes = [2046, 8], strides = [1, 1]} : vector<2048x8xf32> to vector<2046x8xf32>
    %concatenate3A_67 = tpu.concatenate %broadcast_in_dim3A_65, %slice3A_66 in 0 : vector<2x8xf32>, vector<2046x8xf32> -> vector<2048x8xf32>
    %add3A_68 = arith.addf %add3A_63, %concatenate3A_67 : vector<2048x8xf32>
    %broadcast_in_dim3A_69 = arith.constant 0.000000e+00 : f32
    %broadcast_in_dim3A_70 = vector.broadcast %broadcast_in_dim3A_69 : f32 to vector<4x8xf32>
    %slice3A_71 = vector.extract_strided_slice %add3A_68 {offsets = [0, 0], sizes = [2044, 8], strides = [1, 1]} : vector<2048x8xf32> to vector<2044x8xf32>
    %concatenate3A_72 = tpu.concatenate %broadcast_in_dim3A_70, %slice3A_71 in 0 : vector<4x8xf32>, vector<2044x8xf32> -> vector<2048x8xf32>
    %add3A_73 = arith.addf %add3A_68, %concatenate3A_72 : vector<2048x8xf32>
    %broadcast_in_dim3A_74 = arith.constant 0.000000e+00 : f32
    %broadcast_in_dim3A_75 = vector.broadcast %broadcast_in_dim3A_74 : f32 to vector<8x8xf32>
    %slice3A_76 = vector.extract_strided_slice %add3A_73 {offsets = [0, 0], sizes = [2040, 8], strides = [1, 1]} : vector<2048x8xf32> to vector<2040x8xf32>
    %concatenate3A_77 = tpu.concatenate %broadcast_in_dim3A_75, %slice3A_76 in 0 : vector<8x8xf32>, vector<2040x8xf32> -> vector<2048x8xf32>
    %add3A_78 = arith.addf %add3A_73, %concatenate3A_77 : vector<2048x8xf32>
    %broadcast_in_dim3A_79 = arith.constant 0.000000e+00 : f32
    %broadcast_in_dim3A_80 = vector.broadcast %broadcast_in_dim3A_79 : f32 to vector<16x8xf32>
    %slice3A_81 = vector.extract_strided_slice %add3A_78 {offsets = [0, 0], sizes = [2032, 8], strides = [1, 1]} : vector<2048x8xf32> to vector<2032x8xf32>
    %concatenate3A_82 = tpu.concatenate %broadcast_in_dim3A_80, %slice3A_81 in 0 : vector<16x8xf32>, vector<2032x8xf32> -> vector<2048x8xf32>
    %add3A_83 = arith.addf %add3A_78, %concatenate3A_82 : vector<2048x8xf32>
    %broadcast_in_dim3A_84 = arith.constant 0.000000e+00 : f32
    %broadcast_in_dim3A_85 = vector.broadcast %broadcast_in_dim3A_84 : f32 to vector<32x8xf32>
    %slice3A_86 = vector.extract_strided_slice %add3A_83 {offsets = [0, 0], sizes = [2016, 8], strides = [1, 1]} : vector<2048x8xf32> to vector<2016x8xf32>
    %concatenate3A_87 = tpu.concatenate %broadcast_in_dim3A_85, %slice3A_86 in 0 : vector<32x8xf32>, vector<2016x8xf32> -> vector<2048x8xf32>
    %add3A_88 = arith.addf %add3A_83, %concatenate3A_87 : vector<2048x8xf32>
    %broadcast_in_dim3A_89 = arith.constant 0.000000e+00 : f32
    %broadcast_in_dim3A_90 = vector.broadcast %broadcast_in_dim3A_89 : f32 to vector<64x8xf32>
    %slice3A_91 = vector.extract_strided_slice %add3A_88 {offsets = [0, 0], sizes = [1984, 8], strides = [1, 1]} : vector<2048x8xf32> to vector<1984x8xf32>
    %concatenate3A_92 = tpu.concatenate %broadcast_in_dim3A_90, %slice3A_91 in 0 : vector<64x8xf32>, vector<1984x8xf32> -> vector<2048x8xf32>
    %add3A_93 = arith.addf %add3A_88, %concatenate3A_92 : vector<2048x8xf32>
    %broadcast_in_dim3A_94 = arith.constant 0.000000e+00 : f32
    %broadcast_in_dim3A_95 = vector.broadcast %broadcast_in_dim3A_94 : f32 to vector<128x8xf32>
    %slice3A_96 = vector.extract_strided_slice %add3A_93 {offsets = [0, 0], sizes = [1920, 8], strides = [1, 1]} : vector<2048x8xf32> to vector<1920x8xf32>
    %concatenate3A_97 = tpu.concatenate %broadcast_in_dim3A_95, %slice3A_96 in 0 : vector<128x8xf32>, vector<1920x8xf32> -> vector<2048x8xf32>
    %add3A_98 = arith.addf %add3A_93, %concatenate3A_97 : vector<2048x8xf32>
    %broadcast_in_dim3A_99 = arith.constant 0.000000e+00 : f32
    %broadcast_in_dim3A_100 = vector.broadcast %broadcast_in_dim3A_99 : f32 to vector<256x8xf32>
    %slice3A_101 = vector.extract_strided_slice %add3A_98 {offsets = [0, 0], sizes = [1792, 8], strides = [1, 1]} : vector<2048x8xf32> to vector<1792x8xf32>
    %concatenate3A_102 = tpu.concatenate %broadcast_in_dim3A_100, %slice3A_101 in 0 : vector<256x8xf32>, vector<1792x8xf32> -> vector<2048x8xf32>
    %add3A_103 = arith.addf %add3A_98, %concatenate3A_102 : vector<2048x8xf32>
    %broadcast_in_dim3A_104 = arith.constant 0.000000e+00 : f32
    %broadcast_in_dim3A_105 = vector.broadcast %broadcast_in_dim3A_104 : f32 to vector<512x8xf32>
    %slice3A_106 = vector.extract_strided_slice %add3A_103 {offsets = [0, 0], sizes = [1536, 8], strides = [1, 1]} : vector<2048x8xf32> to vector<1536x8xf32>
    %concatenate3A_107 = tpu.concatenate %broadcast_in_dim3A_105, %slice3A_106 in 0 : vector<512x8xf32>, vector<1536x8xf32> -> vector<2048x8xf32>
    %add3A_108 = arith.addf %add3A_103, %concatenate3A_107 : vector<2048x8xf32>
    %broadcast_in_dim3A_109 = arith.constant 0.000000e+00 : f32
    %broadcast_in_dim3A_110 = vector.broadcast %broadcast_in_dim3A_109 : f32 to vector<1024x8xf32>
    %slice3A_111 = vector.extract_strided_slice %add3A_108 {offsets = [0, 0], sizes = [1024, 8], strides = [1, 1]} : vector<2048x8xf32> to vector<1024x8xf32>
    %concatenate3A_112 = tpu.concatenate %broadcast_in_dim3A_110, %slice3A_111 in 0 : vector<1024x8xf32>, vector<1024x8xf32> -> vector<2048x8xf32>
    %add3A_113 = arith.addf %add3A_108, %concatenate3A_112 : vector<2048x8xf32>
    %broadcast_in_dim3A_114 = arith.constant 0.000000e+00 : f32
    %broadcast_in_dim3A_115 = vector.broadcast %broadcast_in_dim3A_114 : f32 to vector<1x8xf32>
    %slice3A_116 = vector.extract_strided_slice %convert_element_type3A_60 {offsets = [0, 0], sizes = [2047, 8], strides = [1, 1]} : vector<2048x8xf32> to vector<2047x8xf32>
    %concatenate3A_117 = tpu.concatenate %broadcast_in_dim3A_115, %slice3A_116 in 0 : vector<1x8xf32>, vector<2047x8xf32> -> vector<2048x8xf32>
    %add3A_118 = arith.addf %convert_element_type3A_60, %concatenate3A_117 : vector<2048x8xf32>
    %broadcast_in_dim3A_119 = arith.constant 0.000000e+00 : f32
    %broadcast_in_dim3A_120 = vector.broadcast %broadcast_in_dim3A_119 : f32 to vector<2x8xf32>
    %slice3A_121 = vector.extract_strided_slice %add3A_118 {offsets = [0, 0], sizes = [2046, 8], strides = [1, 1]} : vector<2048x8xf32> to vector<2046x8xf32>
    %concatenate3A_122 = tpu.concatenate %broadcast_in_dim3A_120, %slice3A_121 in 0 : vector<2x8xf32>, vector<2046x8xf32> -> vector<2048x8xf32>
    %add3A_123 = arith.addf %add3A_118, %concatenate3A_122 : vector<2048x8xf32>
    %broadcast_in_dim3A_124 = arith.constant 0.000000e+00 : f32
    %broadcast_in_dim3A_125 = vector.broadcast %broadcast_in_dim3A_124 : f32 to vector<4x8xf32>
    %slice3A_126 = vector.extract_strided_slice %add3A_123 {offsets = [0, 0], sizes = [2044, 8], strides = [1, 1]} : vector<2048x8xf32> to vector<2044x8xf32>
    %concatenate3A_127 = tpu.concatenate %broadcast_in_dim3A_125, %slice3A_126 in 0 : vector<4x8xf32>, vector<2044x8xf32> -> vector<2048x8xf32>
    %add3A_128 = arith.addf %add3A_123, %concatenate3A_127 : vector<2048x8xf32>
    %broadcast_in_dim3A_129 = arith.constant 0.000000e+00 : f32
    %broadcast_in_dim3A_130 = vector.broadcast %broadcast_in_dim3A_129 : f32 to vector<8x8xf32>
    %slice3A_131 = vector.extract_strided_slice %add3A_128 {offsets = [0, 0], sizes = [2040, 8], strides = [1, 1]} : vector<2048x8xf32> to vector<2040x8xf32>
    %concatenate3A_132 = tpu.concatenate %broadcast_in_dim3A_130, %slice3A_131 in 0 : vector<8x8xf32>, vector<2040x8xf32> -> vector<2048x8xf32>
    %add3A_133 = arith.addf %add3A_128, %concatenate3A_132 : vector<2048x8xf32>
    %broadcast_in_dim3A_134 = arith.constant 0.000000e+00 : f32
    %broadcast_in_dim3A_135 = vector.broadcast %broadcast_in_dim3A_134 : f32 to vector<16x8xf32>
    %slice3A_136 = vector.extract_strided_slice %add3A_133 {offsets = [0, 0], sizes = [2032, 8], strides = [1, 1]} : vector<2048x8xf32> to vector<2032x8xf32>
    %concatenate3A_137 = tpu.concatenate %broadcast_in_dim3A_135, %slice3A_136 in 0 : vector<16x8xf32>, vector<2032x8xf32> -> vector<2048x8xf32>
    %add3A_138 = arith.addf %add3A_133, %concatenate3A_137 : vector<2048x8xf32>
    %broadcast_in_dim3A_139 = arith.constant 0.000000e+00 : f32
    %broadcast_in_dim3A_140 = vector.broadcast %broadcast_in_dim3A_139 : f32 to vector<32x8xf32>
    %slice3A_141 = vector.extract_strided_slice %add3A_138 {offsets = [0, 0], sizes = [2016, 8], strides = [1, 1]} : vector<2048x8xf32> to vector<2016x8xf32>
    %concatenate3A_142 = tpu.concatenate %broadcast_in_dim3A_140, %slice3A_141 in 0 : vector<32x8xf32>, vector<2016x8xf32> -> vector<2048x8xf32>
    %add3A_143 = arith.addf %add3A_138, %concatenate3A_142 : vector<2048x8xf32>
    %broadcast_in_dim3A_144 = arith.constant 0.000000e+00 : f32
    %broadcast_in_dim3A_145 = vector.broadcast %broadcast_in_dim3A_144 : f32 to vector<64x8xf32>
    %slice3A_146 = vector.extract_strided_slice %add3A_143 {offsets = [0, 0], sizes = [1984, 8], strides = [1, 1]} : vector<2048x8xf32> to vector<1984x8xf32>
    %concatenate3A_147 = tpu.concatenate %broadcast_in_dim3A_145, %slice3A_146 in 0 : vector<64x8xf32>, vector<1984x8xf32> -> vector<2048x8xf32>
    %add3A_148 = arith.addf %add3A_143, %concatenate3A_147 : vector<2048x8xf32>
    %broadcast_in_dim3A_149 = arith.constant 0.000000e+00 : f32
    %broadcast_in_dim3A_150 = vector.broadcast %broadcast_in_dim3A_149 : f32 to vector<128x8xf32>
    %slice3A_151 = vector.extract_strided_slice %add3A_148 {offsets = [0, 0], sizes = [1920, 8], strides = [1, 1]} : vector<2048x8xf32> to vector<1920x8xf32>
    %concatenate3A_152 = tpu.concatenate %broadcast_in_dim3A_150, %slice3A_151 in 0 : vector<128x8xf32>, vector<1920x8xf32> -> vector<2048x8xf32>
    %add3A_153 = arith.addf %add3A_148, %concatenate3A_152 : vector<2048x8xf32>
    %broadcast_in_dim3A_154 = arith.constant 0.000000e+00 : f32
    %broadcast_in_dim3A_155 = vector.broadcast %broadcast_in_dim3A_154 : f32 to vector<256x8xf32>
    %slice3A_156 = vector.extract_strided_slice %add3A_153 {offsets = [0, 0], sizes = [1792, 8], strides = [1, 1]} : vector<2048x8xf32> to vector<1792x8xf32>
    %concatenate3A_157 = tpu.concatenate %broadcast_in_dim3A_155, %slice3A_156 in 0 : vector<256x8xf32>, vector<1792x8xf32> -> vector<2048x8xf32>
    %add3A_158 = arith.addf %add3A_153, %concatenate3A_157 : vector<2048x8xf32>
    %broadcast_in_dim3A_159 = arith.constant 0.000000e+00 : f32
    %broadcast_in_dim3A_160 = vector.broadcast %broadcast_in_dim3A_159 : f32 to vector<512x8xf32>
    %slice3A_161 = vector.extract_strided_slice %add3A_158 {offsets = [0, 0], sizes = [1536, 8], strides = [1, 1]} : vector<2048x8xf32> to vector<1536x8xf32>
    %concatenate3A_162 = tpu.concatenate %broadcast_in_dim3A_160, %slice3A_161 in 0 : vector<512x8xf32>, vector<1536x8xf32> -> vector<2048x8xf32>
    %add3A_163 = arith.addf %add3A_158, %concatenate3A_162 : vector<2048x8xf32>
    %broadcast_in_dim3A_164 = arith.constant 0.000000e+00 : f32
    %broadcast_in_dim3A_165 = vector.broadcast %broadcast_in_dim3A_164 : f32 to vector<1024x8xf32>
    %slice3A_166 = vector.extract_strided_slice %add3A_163 {offsets = [0, 0], sizes = [1024, 8], strides = [1, 1]} : vector<2048x8xf32> to vector<1024x8xf32>
    %concatenate3A_167 = tpu.concatenate %broadcast_in_dim3A_165, %slice3A_166 in 0 : vector<1024x8xf32>, vector<1024x8xf32> -> vector<2048x8xf32>
    %add3A_168 = arith.addf %add3A_163, %concatenate3A_167 : vector<2048x8xf32>
    %slice3A_169 = vector.extract_strided_slice %add3A_113 {offsets = [2047, 0], sizes = [1, 8], strides = [1, 1]} : vector<2048x8xf32> to vector<1x8xf32>
    %slice3A_170 = vector.extract_strided_slice %add3A_168 {offsets = [2047, 0], sizes = [1, 8], strides = [1, 1]} : vector<2048x8xf32> to vector<1x8xf32>
    %add3A_171 = arith.addf %slice3A_169, %slice3A_170 : vector<1x8xf32>
    %div3A_172 = arith.constant 2.560000e+02 : f32
    %div3A_173 = vector.broadcast %div3A_172 : f32 to vector<1x8xf32>
    %div3A_174 = arith.divf %add3A_171, %div3A_173 : vector<1x8xf32>
    %ceil3A = math.ceil %div3A_174 : vector<1x8xf32>
    %mul3A = arith.constant 2.560000e+02 : f32
    %mul3A_175 = vector.broadcast %mul3A : f32 to vector<1x8xf32>
    %mul3A_176 = arith.mulf %ceil3A, %mul3A_175 : vector<1x8xf32>
    %iota3A_177 = tpu.iota {dimensions = array<i32: 0>} : vector<8x8xi32>
    %iota3A_178 = tpu.iota {dimensions = array<i32: 1>} : vector<8x8xi32>
    %lt3A = arith.cmpi slt, %iota3A_177, %iota3A_178 : vector<8x8xi32>
    %convert_element_type3A_179 = arith.extui %lt3A : vector<8x8xi1> to vector<8x8xi32>
    %convert_element_type3A_180 = arith.sitofp %convert_element_type3A_179 : vector<8x8xi32> to vector<8x8xf32>
    %dot_general3A_181 = arith.constant dense<0.000000e+00> : vector<1x8xf32>
    %dot_general3A_182 = tpu.matmul %mul3A_176, %convert_element_type3A_180, %dot_general3A_181 {dimension_numbers = #tpu.dot_dimension_numbers<[1], [0], [0], [1], [0, 0, 1, 1], [], []>, transpose_lhs_hint = false} : vector<1x8xf32>, vector<8x8xf32>, vector<1x8xf32> -> vector<1x8xf32>
    %add3A_183 = vector.broadcast %dot_general3A_182 : vector<1x8xf32> to vector<2048x8xf32>
    %add3A_184 = arith.addf %add3A_183, %add3A_113 : vector<2048x8xf32>
    %sub3A_185 = arith.constant 1.000000e+00 : f32
    %sub3A_186 = vector.broadcast %sub3A_185 : f32 to vector<2048x8xf32>
    %sub3A_187 = arith.subf %add3A_184, %sub3A_186 : vector<2048x8xf32>
    %mul3A_188 = arith.mulf %convert_element_type3A_56, %sub3A_187 : vector<2048x8xf32>
    %reduce_sum3A_189 = arith.constant dense<0.000000e+00> : vector<2048xf32>
    %reduce_sum3A_190 = vector.multi_reduction <add>, %mul3A_188, %reduce_sum3A_189 [1] : vector<2048x8xf32> to vector<2048xf32>
    %broadcast_in_dim3A_191 = vector.shape_cast %reduce_sum3A_190 : vector<2048xf32> to vector<2048x1xf32>
    %add3A_192 = arith.addf %dot_general3A_182, %slice3A_169 : vector<1x8xf32>
    %add3A_193 = vector.broadcast %add3A_192 : vector<1x8xf32> to vector<2048x8xf32>
    %add3A_194 = arith.addf %add3A_193, %add3A_168 : vector<2048x8xf32>
    %sub3A_195 = arith.constant 1.000000e+00 : f32
    %sub3A_196 = vector.broadcast %sub3A_195 : f32 to vector<2048x8xf32>
    %sub3A_197 = arith.subf %add3A_194, %sub3A_196 : vector<2048x8xf32>
    %mul3A_198 = arith.mulf %convert_element_type3A_60, %sub3A_197 : vector<2048x8xf32>
    %reduce_sum3A_199 = arith.constant dense<0.000000e+00> : vector<2048xf32>
    %reduce_sum3A_200 = vector.multi_reduction <add>, %mul3A_198, %reduce_sum3A_199 [1] : vector<2048x8xf32> to vector<2048xf32>
    %broadcast_in_dim3A_201 = vector.shape_cast %reduce_sum3A_200 : vector<2048xf32> to vector<2048x1xf32>
    %convert_element_type3A_202 = arith.fptosi %broadcast_in_dim3A_191 : vector<2048x1xf32> to vector<2048x1xi32>
    %swap3A_203 = arith.constant 0 : index
    %swap3A_204 = arith.constant 0 : index
    %swap3A_205 = vector.load %arg4[%swap3A_203, %swap3A_204] : memref<2048x1xi32, #tpu.memory_space<vmem>>, vector<2048x1xi32>
    tpu.vector_store %arg4[%swap3A_203, %swap3A_204], %convert_element_type3A_202 {strides = array<i32>} : memref<2048x1xi32, #tpu.memory_space<vmem>>, vector<2048x1xi32>,
    %convert_element_type3A_206 = arith.fptosi %broadcast_in_dim3A_201 : vector<2048x1xf32> to vector<2048x1xi32>
    %swap3A_207 = arith.constant 0 : index
    %swap3A_208 = arith.constant 0 : index
    %swap3A_209 = vector.load %arg5[%swap3A_207, %swap3A_208] : memref<2048x1xi32, #tpu.memory_space<vmem>>, vector<2048x1xi32>
    tpu.vector_store %arg5[%swap3A_207, %swap3A_208], %convert_element_type3A_206 {strides = array<i32>} : memref<2048x1xi32, #tpu.memory_space<vmem>>, vector<2048x1xi32>,
    %add3A_210 = arith.addf %dot_general3A_182, %mul3A_176 : vector<1x8xf32>
    %iota3A_211 = tpu.iota {dimensions = array<i32: 0>} : vector<24x1xi32>
    %mul3A_212 = arith.constant 256 : i32
    %mul3A_213 = vector.broadcast %mul3A_212 : i32 to vector<24x1xi32>
    %mul3A_214 = arith.muli %iota3A_211, %mul3A_213 : vector<24x1xi32>
    %convert_element_type3A_215 = arith.sitofp %mul3A_214 : vector<24x1xi32> to vector<24x1xf32>
    %broadcast_in_dim3A_216 = vector.shape_cast %add3A_210 : vector<1x8xf32> to vector<1x8xf32>
    %broadcast_in_dim3A_217 = vector.broadcast %broadcast_in_dim3A_216 : vector<1x8xf32> to vector<24x8xf32>
    %le3A = vector.broadcast %convert_element_type3A_215 : vector<24x1xf32> to vector<24x8xf32>
    %le3A_218 = arith.cmpf ole, %broadcast_in_dim3A_217, %le3A : vector<24x8xf32>
    %convert_element_type3A_219 = arith.extui %le3A_218 : vector<24x8xi1> to vector<24x8xi32>
    %reduce_sum3A_220 = arith.constant dense<0> : vector<24xi32>
    %reduce_sum3A_221 = vector.multi_reduction <add>, %convert_element_type3A_219, %reduce_sum3A_220 [1] : vector<24x8xi32> to vector<24xi32>
    %broadcast_in_dim3A_222 = vector.shape_cast %reduce_sum3A_221 : vector<24xi32> to vector<24x1xi32>
    %reduce_max3A_223 = vector.shape_cast %add3A_210 : vector<1x8xf32> to vector<1x1x8xf32>
    %reduce_max3A_224 = arith.constant dense<0xFF800000> : vector<1xf32>
    %reduce_max3A_225 = vector.multi_reduction <maximumf>, %reduce_max3A_223, %reduce_max3A_224 [1, 2] : vector<1x1x8xf32> to vector<1xf32>
    %reduce_max3A_226 = vector.shape_cast %reduce_max3A_225 : vector<1xf32> to vector<1x1x1xf32>
    %reduce_max3A_227 = vector.extract %reduce_max3A_226[0, 0, 0] : f32 from vector<1x1x1xf32>
    %lt3A_228 = vector.broadcast %reduce_max3A_227 : f32 to vector<24x1xf32>
    %lt3A_229 = arith.cmpf olt, %convert_element_type3A_215, %lt3A_228 : vector<24x1xf32>
    %convert_element_type3A_230 = arith.extui %lt3A_229 : vector<24x1xi1> to vector<24x1xi32>
    %iota3A_231 = tpu.iota {dimensions = array<i32: 1>} : vector<1x8xi32>
    %convert_element_type3A_232 = arith.sitofp %iota3A_231 : vector<1x8xi32> to vector<1x8xf32>
    %gt3A = arith.constant 0.000000e+00 : f32
    %gt3A_233 = vector.broadcast %gt3A : f32 to vector<1x8xf32>
    %gt3A_234 = arith.cmpf ogt, %add3A_171, %gt3A_233 : vector<1x8xf32>
    %jit3A_235 = arith.constant 0.000000e+00 : f32
    %broadcast_in_dim3A_236 = vector.broadcast %jit3A_235 : f32 to vector<1x8xf32>
    %select_n3A_237 = arith.select %gt3A_234, %convert_element_type3A_232, %broadcast_in_dim3A_236 : vector<1x8xi1>, vector<1x8xf32>
    %reduce_max3A_238 = vector.shape_cast %select_n3A_237 : vector<1x8xf32> to vector<1x1x8xf32>
    %reduce_max3A_239 = arith.constant dense<0xFF800000> : vector<1xf32>
    %reduce_max3A_240 = vector.multi_reduction <maximumf>, %reduce_max3A_238, %reduce_max3A_239 [1, 2] : vector<1x1x8xf32> to vector<1xf32>
    %reduce_max3A_241 = vector.shape_cast %reduce_max3A_240 : vector<1xf32> to vector<1x1x1xf32>
    %reduce_max3A_242 = vector.extract %reduce_max3A_241[0, 0, 0] : f32 from vector<1x1x1xf32>
    %convert_element_type3A_243 = arith.fptosi %reduce_max3A_242 : f32 to i32
    %eq3A_244 = arith.constant 1 : i32
    %eq3A_245 = vector.broadcast %eq3A_244 : i32 to vector<24x1xi32>
    %eq3A_246 = arith.cmpi eq, %convert_element_type3A_230, %eq3A_245 : vector<24x1xi32>
    %broadcast_in_dim3A_247 = vector.broadcast %convert_element_type3A_243 : i32 to vector<24x1xi32>
    %select_n3A_248 = arith.select %eq3A_246, %broadcast_in_dim3A_222, %broadcast_in_dim3A_247 : vector<24x1xi1>, vector<24x1xi32>
    %swap3A_249 = arith.constant 0 : index
    %swap3A_250 = arith.constant 0 : index
    %swap3A_251 = vector.load %arg8[%swap3A_249, %swap3A_250] : memref<24x1xi32, #tpu.memory_space<vmem>>, vector<24x1xi32>
    tpu.vector_store %arg8[%swap3A_249, %swap3A_250], %select_n3A_248 {strides = array<i32>} : memref<24x1xi32, #tpu.memory_space<vmem>>, vector<24x1xi32>,
    %swap3A_252 = arith.constant 0 : index
    %swap3A_253 = arith.constant 0 : index
    %swap3A_254 = vector.load %arg9[%swap3A_252, %swap3A_253] : memref<24x1xi32, #tpu.memory_space<vmem>>, vector<24x1xi32>
    tpu.vector_store %arg9[%swap3A_252, %swap3A_253], %convert_element_type3A_230 {strides = array<i32>} : memref<24x1xi32, #tpu.memory_space<vmem>>, vector<24x1xi32>,
    return
  }
}

</mosaic_0001>

<sc_bundles>
// kernel: kernel.6.cloned.1.call-start
scs
__scs_entry_jumppad:
0x0: {  	(pc) =	sbr.rel $0x88, $3  }
0x1: {  	(tag) =	ssettag $0x0;
	lr =	simm.s32 $0x1  }
0x2: {  	[smem:$0x3F9C] =	sst lr;
	_ =	strace $0xD0000000  }
0x3: {  	_ = 	snop  }
0x4: {  	_ = 	snop  }
0x5: {  	_ = 	snop  }
0x6: {  	_ = 	snop  }
0x7: {  	_ = 	snop  }
__scs_overlays_trampoline_lowered:
0x8: {  	[smem:$0x3FAB] =	sst s0  }
0x9: {  	[smem:$0x3FAC] =	sst s1  }
0xa: {  	[smem:$0x3FAD] =	sst s2  }
0xb: {  	[smem:$0x3FAE] =	sst s3  }
0xc: {  	[smem:$0x3FAF] =	sst s4  }
0xd: {  	[smem:$0x3FB0] =	sst s5  }
0xe: {  	[smem:$0x3FB1] =	sst s6  }
0xf: {  	[smem:$0x3FB2] =	sst s7  }
0x10: {  	[smem:$0x3FB3] =	sst s8  }
0x11: {  	[smem:$0x3FB4] =	sst s9;
	s0 =	simm.s32 @!p0 $0x0  }
0x12: {  	s1 =	sld [smem:$0x3F9A];
	s0 =	simm.s32 @p0 $0x1  }
0x13: {  	[smem:$0x3FB5] =	sst s0;
	s0 =	simm.s32 @!p1 $0x0  }
0x14: {  	s2 =	sld [smem:$0x3F99];
	s0 =	simm.s32 @p1 $0x1  }
0x15: {  	[smem:$0x3FB6] =	sst s0;
	s0 =	simm.s32 @!p2 $0x0  }
0x16: {  	s3 =	sld [smem:$0x3FDB];
	s0 =	simm.s32 @p2 $0x1  }
0x17: {  	s4 =	simm.s32 $0x1BF5;
	[smem:$0x3FB8] =	sst s0  }
0x18: {  	s0 =	sld [smem:$0x3F9B];
	_ =	swait.ge [sflag:s4], $0x0  }
0x19: {  	s7 =	sld [smem:$0x3F9C]  }
0x1a: {  	s8 =	sadd.s32 $0xFFFFE003, lr  }
0x1b: {  	s9 =	sadd.s32 $0xFFFFFEF7, lr;
	s5 =	simm.s32 $0xFFFFFFFF;
	p2 =	slt.u32 s8, $0xFFFFF086  }
0x1c: {  	p1 =	slt.u32 s9, $0xF7A;
	s5 =	simm.s32 @!p2 $0x0  }
0x1d: {  	s5 =	simm.s32 @p1 $0x1;
	p0 =	seq.s32 s7, s2  }
0x1e: {  	s7 =	smul.u32 @!p0 $0xF7A, s2;
	p2 =	seq.s32 @!p0 s5, $0x0  }
0x1f: {  	s9 =	smul.u32 $0xF7A, s1;
	s8 =	simm.s32 @!p0 $0x1BF5;
	p2 =	por !p2, p0  }
0x20: {  	[sflag:s8] =	ssyncset.s32 @!p0 $0xFFFFF086;
	s6 =	sadd.s32 @!p0 s3, s7;
	s7 =	simm.s32 @!p0 $0x108  }
0x21: {  	s3 =	sadd.s32 s3, s9;
	s6 =	sadd.s32 @!p0 $0x88, s6;
	s7 =	simm.s32 @p2 $0x1082  }
0x22: {  	[simem:s7], [sflag:s8] =	dma.local @!p0 [hbm:s6], $0xF7A  }
0x23: {  	s9 =	sor.u32 $0xD0000000, s2;
	s6 =	simm.s32 $0x108;
	_ =	swait.ge @!p0 [sflag:s8], $0x0  }
0x24: {  	s3 =	sadd.s32 $0x88, s3;
	s6 =	simm.s32 @!p1 $0x1082;
	[sflag:s4] =	ssyncset.s32 $0xFFFFF086  }
0x25: {  	[simem:s6], [sflag:s4] =	dma.local [hbm:s3], $0xF7A  }
0x26: {  	[smem:$0x3F9C] =	sst s1;
	(tag) =	ssettag s2;
	_ =	strace s9  }
0x27: {  	s1 =	sld [smem:$0x3FAC]  }
0x28: {  	s2 =	sld [smem:$0x3FAD]  }
0x29: {  	s4 =	sld [smem:$0x3FAF]  }
0x2a: {  	p0 =	seq.s32 s5, $0x0;
	s5 =	sld [smem:$0x3FB0]  }
0x2b: {  	s6 =	sld [smem:$0x3FB1]  }
0x2c: {  	s7 =	sld [smem:$0x3FB2]  }
0x2d: {  	s3 =	simm.s32 $0x108;
	s8 =	sld [smem:$0x3FB3]  }
0x2e: {  	s3 =	simm.s32 @!p0 $0x1082;
	s9 =	sld [smem:$0x3FB4]  }
0x2f: {  	lr =	sadd.s32 s0, s3;
	s0 =	sld [smem:$0x3FAB]  }
0x30: {  	s3 =	sld [smem:$0x3FAE]  }
0x31: {  	[smem:$0x3FB7] =	sst s10  }
0x32: {  	s10 =	sld [smem:$0x3FB5];
	_ =	sdelay $0x3  }
0x33: {  	p0 =	seq.s32 s10, $0x1;
	s10 =	sld [smem:$0x3FB7];
	_ =	sdelay $0x3  }
0x34: {  	[smem:$0x3FB7] =	sst s10  }
0x35: {  	s10 =	sld [smem:$0x3FB6];
	_ =	sdelay $0x3  }
0x36: {  	p1 =	seq.s32 s10, $0x1;
	s10 =	sld [smem:$0x3FB7];
	_ =	sdelay $0x3  }
0x37: {  	[smem:$0x3FB7] =	sst s10  }
0x38: {  	s10 =	sld [smem:$0x3FB8]  }
0x39: {  	_ = 	snop;
	(pc) =	sbr.ind lr, $3  }
0x3a: {  	_ = 	snop  }
0x3b: {  	_ = 	snop  }
0x3c: {  	p2 =	seq.s32 s10, $0x1;
	s10 =	sld [smem:$0x3FB7]  }
0x3d: {  	_ =	shalt  }
0x3e: {  	_ =	shalt  }
0x3f: {  	_ =	shalt  }
0x40: {  	_ =	shalt  }
0x41: {  	_ =	shalt  }
0x42: {  	_ =	shalt  }
0x43: {  	_ =	shalt  }
0x44: {  	_ =	shalt  }
0x45: {  	_ =	shalt  }
0x46: {  	_ =	shalt  }
0x47: {  	_ =	shalt  }
0x48: {  	_ =	shalt  }
0x49: {  	_ =	shalt  }
0x4a: {  	_ =	shalt  }
0x4b: {  	_ =	shalt  }
0x4c: {  	_ =	shalt  }
0x4d: {  	_ =	shalt  }
0x4e: {  	_ =	shalt  }
0x4f: {  	_ =	shalt  }
0x50: {  	_ =	shalt  }
0x51: {  	_ =	shalt  }
0x52: {  	_ =	shalt  }
0x53: {  	_ =	shalt  }
0x54: {  	_ =	shalt  }
0x55: {  	_ =	shalt  }
0x56: {  	_ =	shalt  }
0x57: {  	_ =	shalt  }
0x58: {  	_ =	shalt  }
0x59: {  	_ =	shalt  }
0x5a: {  	_ =	shalt  }
0x5b: {  	_ =	shalt  }
0x5c: {  	_ =	shalt  }
0x5d: {  	_ =	shalt  }
0x5e: {  	_ =	shalt  }
0x5f: {  	_ =	shalt  }
0x60: {  	_ =	shalt  }
0x61: {  	_ =	shalt  }
0x62: {  	_ =	shalt  }
0x63: {  	_ =	shalt  }
0x64: {  	_ =	shalt  }
0x65: {  	_ =	shalt  }
0x66: {  	_ =	shalt  }
0x67: {  	_ =	shalt  }
0x68: {  	_ =	shalt  }
0x69: {  	_ =	shalt  }
0x6a: {  	_ =	shalt  }
0x6b: {  	_ =	shalt  }
0x6c: {  	_ =	shalt  }
0x6d: {  	_ =	shalt  }
0x6e: {  	_ =	shalt  }
0x6f: {  	_ =	shalt  }
0x70: {  	_ =	shalt  }
0x71: {  	_ =	shalt  }
0x72: {  	_ =	shalt  }
0x73: {  	_ =	shalt  }
0x74: {  	_ =	shalt  }
0x75: {  	_ =	shalt  }
0x76: {  	_ =	shalt  }
0x77: {  	_ =	shalt  }
0x78: {  	_ =	shalt  }
0x79: {  	_ =	shalt  }
0x7a: {  	_ =	shalt  }
0x7b: {  	_ =	shalt  }
0x7c: {  	_ =	shalt  }
0x7d: {  	_ =	shalt  }
0x7e: {  	_ =	shalt  }
0x7f: {  	_ =	shalt  }
0x80: {  	_ =	shalt  }
0x81: {  	_ =	shalt  }
0x82: {  	_ =	shalt  }
0x83: {  	_ =	shalt  }
0x84: {  	_ =	shalt  }
0x85: {  	_ =	shalt  }
0x86: {  	_ =	shalt  }
0x87: {  	_ =	shalt  }
.Lfunc_end0:
.L_simem_size_0:
called_computation_lowered:
.L_overlay_start_0:
0x88: {  	s2 =	sld [smem:$0x3FD9]  }
0x89: {  	s3 =	sld [smem:$0x3FFE];
	_ =	sdelay $0x1  }
0x8a: {  	s1 =	srdreg.scid  }
0x8b: {  	s0 =	sand.u32 $0x1, s1  }
0x8c: {  	s16 =	sshll.u32 s0, $0xA;
	s2 =	sadd.s32 s3, s2  }
0x8d: {  	s2 =	sadd.s32 s2, s16  }
0x8e: {  	[smem:$0x3FC3] =	sst s2  }
0x8f: {  	_ = 	snop  }
0x90: {  	(tm) =	ssettm $0x1  }
0x91: {  	s17 =	sld [smem:$0x3FFB];
	_ =	sdelay $0x3  }
0x92: {  	_ =	strace s17  }
0x93: {  	s2 =	sld [smem:$0x3FFC];
	_ =	sdelay $0x3  }
0x94: {  	_ =	strace s2  }
0x95: {  	s2 =	sld [smem:$0x3FFD];
	_ =	sdelay $0x3  }
0x96: {  	_ =	strace s2  }
0x97: {  	_ =	strace $0x8FFFFFFF  }
0x98: {  	s18 =	sld [smem:$0x3FDB];
	_ =	sdelay $0x1  }
0x99: {  	s19 =	simm.s32 $_scs_section_size  }
0x9a: {  	s4 =	simm.s32 $_size__tile_overlayer_lowered;
	s5 =	simm.s32 $_tile_overlayer_lowered  }
0x9b: {  	s22 =	simm.s32 $0x1BFF;
	s21 =	sshll.u32 s5, $0x1;
	s2 =	sadd.s32 s19, s18  }
0x9c: {  	s6 =	simm.s32 $0x0;
	s20 =	sshll.u32 s4, $0x1;
	s4 =	sadd.s32 s21, s2  }
0x9d: {  	[timem:s6], [sflag:s22] =	dma.local [hbm:s4], s20  }
0x9e: {  	_ =	swait.ge [sflag:s22], s20  }
0x9f: {  	s3 =	ssub.s32 $0x0, s20;
	[sflag:s22] =	ssyncset.done $0x0  }
0xa0: {  	[sflag:s22] =	ssyncadd.s32 s3;
	_ =	sdelay $0x1  }
0xa1: {  	s23 =	simm.s32 $0x1B8B  }
0xa2: {  	_ =	swait.ge [sflag:s23], $0x1  }
0xa3: {  	[sflag:s23] =	ssyncset.done $0x0  }
0xa4: {  	s25 =	simm.s32 $0x1B8E;
	s24 =	sld [smem:$0x3FFE];
	[sflag:s23] =	ssyncadd.s32 $0xFFFFFFFF  }
0xa5: {  	s26 =	simm.s32 $execute0_lowered;
	[smem:$0x3FD2] =	sst s25  }
0xa6: {  	s4 =	sshll.u32 s26, $0x1;
	_ =	strace $0x80000046;
	[dreg:$0x1] =	wrdreg $0xFFFFFFFF  }
0xa7: {  	s28 =	simm.s32 $_size_execute0_lowered;
	s2 =	sadd.s32 s2, s4;
	[dreg:$0x0] =	wrdreg $0x0  }
0xa8: {  	s4 =	sshll.u32 s28, $0x1;
	[dreg:$0x2] =	wrdreg s2  }
0xa9: {  	[dreg:$0x3] =	wrdreg s4  }
0xaa: {  	[dreg:$0x4] =	wrdreg $0xC0  }
0xab: {  	_ =	task [dreg:s6], $0x5FFFF  }
0xac: {  	[dreg:$0x1] =	wrdreg $0xFFFFFFFF  }
0xad: {  	[dreg:$0x0] =	wrdreg $0x60  }
0xae: {  	[dreg:$0x2] =	wrdreg s24  }
0xaf: {  	[dreg:$0x3] =	wrdreg $0x9  }
0xb0: {  	_ =	task.clear_ibuf [dreg:s6], $0x4FFFF;
	_ =	strace $0x90000046  }
0xb1: {  	s29 =	simm.s32 $0x9;
	_ =	strace $0x80000048  }
0xb2: {  	_ =	swait.ge [sflag:s29], $0x1  }
0xb3: {  	[sflag:s29] =	ssyncadd.s32 $0xFFFFFFFF  }
0xb4: {  	_ =	strace $0x90000048  }
0xb5: {  	_ =	sfence  }
0xb6: {  	s30 =	sld [smem:$0x0];
	_ =	sdelay $0x2  }
0xb7: {  	s31 =	sshll.u32 s1, $0xD;
	s1 =	sshrl.u32 s1, $0x2  }
0xb8: {  	s3 =	sand.u32 $0x4000, s31;
	s1 =	sadd.s32 s1, s30  }
0xb9: {  	s0 =	sor.u32 s3, s0;
	s1 =	sshll.u32 s1, $0x11  }
0xba: {  	s0 =	sor.u32 s1, s0  }
0xbb: {  	s0 =	sadd.s32 $0x8F2B, s0  }
0xbc: {  	[sflag:s0] =	ssyncadd.remote.s32 $0x1  }
0xbd: {  	_ =	sfence.sel $0xFFFF  }
0xbe: {  	[dreg:$0x0] =	wrdreg $0xFFFFFFFF;
	(pc) =	sbr.abs _section_cstart, $3  }
0xbf: {  	[dreg:$0x1] =	wrdreg $0xFFFFFFFF  }
0xc0: {  	_ =	task.clear_ibuf [dreg:s6], $0x2FFFF;
	_ =	strace $0x9FFFFFFF  }
0xc1: {  	(tm) =	ssettm $0x7FFFFFFF  }
tec
execute0_lowered:
.L_overlay_start_1:
0x0: {  	(tag) =	ssettag $0x1  }
0x1: {  	s0 =	srdreg.scid;
	s2 =	stileid.u32  }
0x2: {  	s1 =	rddreg [dreg:$0x0];
	s8 =	simm.s32 $0x2;
	s17 =	simm.s32 $0x1  }
0x3: {  	s19 =	simm.s32 $0x10000;
	s20 =	simm.s32 $0x800;
	s21 =	simm.s32 $0x1000  }
0x4: {  	s22 =	simm.s32 $0x1800;
	s23 =	simm.s32 $0x2000;
	s28 =	simm.s32 $0x4000  }
0x5: {  	s29 =	simm.s32 $0x4800;
	s30 =	simm.s32 $0x5000;
	s31 =	simm.s32 $0x5800  }
0x6: {  	s9 =	simm.s32 $0x7000;
	s10 =	simm.s32 $0x7800;
	s11 =	simm.s32 $0x8000  }
0x7: {  	s12 =	simm.s32 $0x8800;
	s13 =	simm.s32 $0x9000;
	s14 =	simm.s32 $0x9800  }
0x8: {  	s15 =	simm.s32 $0xA000;
	s16 =	simm.s32 $0xA800;
	s0 =	sand.u32 $0x1, s0  }
0x9: {  	s3 =	sshll.u32 s2, $0x7;
	s2 =	simm.s32 $0x0;
	s6 =	sadd.s32 $0x48700, s1  }
0xa: {  	s4 =	sshll.u32 s0, $0x6;
	[smem:$0x7FF] =	sst s2;
	s0 =	ssub.s32 $0x2, s0  }
0xb: {  	s3 =	sor.u32 s4, s3;
	_ =	strace $0x80000047;
	s5 =	sshrl.u32 s0, $0x1  }
0xc: {  	s4 =	sshrl.u32 s3, $0x3;
	s24 =	sshll.u32 s3, $0x7;
	s3 =	sadd.s32 $0x48400, s1  }
0xd: {  	s0 =	ssub.s32 s0, s5;
	s7 =	sadd.s32 s4, s1;
	s4 =	sadd.s32 s1, s24  }
0xe: {  	s5 =	sadd.s32 $0x48600, s1;
	s24 =	simm.s32 $0x2800;
	[dreg:$0x2] =	wrdreg s4  }
0xf: {  	v2 =	vlaneseq.u32;
	s25 =	sadd.s32 $0x48000, s7;
	s4 =	sadd.s32 $0x48500, s1;
	s26 =	sadd.s32 $0x48200, s7  }
0x10: {  	vm0 =	vmmov $0xffff;
	v1 =	vshrl.u32 v2, $0x3;
	s7 =	smax.u32 s0, $0x1;
	s1 =	simm.s32 $0x6000;
	[dreg:$0x3] =	wrdreg s25  }
0x11: {  	v0 =	vand.u32 $0x7, v2;
	v2 =	vor.u32 $0x8, v2;
	v1 =	vmul.u32 $0x8, v1;
	[dreg:$0x4] =	wrdreg s26;
	s25 =	simm.s32 $0x3000;
	s26 =	simm.s32 $0x3800  }
.LBB2_1:
0x12: {  	s18 =	rddreg [dreg:$0x2]  }
0x13: {  	[tilespmem:s2], [sflag:$0x2] =	stream.linear.gather [hbm4b:s18+s2], $0x10000, $0x38;
	[tilespmem:$0x10080] =	vst v63  }
0x14: {  	_ =	swait.ge [sflag:s8], $0x10000  }
0x15: {  	[sflag:s8] =	ssyncset.done $0x0  }
0x16: {  	s0 =	rddreg [dreg:$0x3];
	[sflag:s8] =	ssyncadd.s32 $0xFFFF0000  }
0x17: {  	[tilespmem:s19], [sflag:$0x2] =	stream.linear.gather [hbm4b:s0+s2], $0x40, $0x38;
	[tilespmem:$0x10080] =	vst v63  }
0x18: {  	_ =	swait.ge [sflag:s8], $0x40  }
0x19: {  	[sflag:s8] =	ssyncset.done $0x0  }
0x1a: {  	[sflag:s8] =	ssyncadd.s32 $0xFFFFFFC0  }
0x1b: {  	v3 =	vld [tilespmem:$0x10000];
	_ =	sdelay $0x4  }
0x1c: {  	v4 =	vshll.u32 v3, $0x3  }
0x1d: {  	v3 =	vand.u32 $0x7, v3;
	v4 =	vand.u32 $0xFFFFFFC0, v4  }
0x1e: {  	v3 =	vor.u32 v3, v4  }
0x1f: {  	v4 =	vperm.xlane v3, v0;
	_ =	sdelay $0x1  }
0x20: {  	v4 =	vadd.s32 v1, v4;
	_ =	sdelay $0x4  }
0x21: {  	[hbm4b:s3+s2] =	stream.indirect_vreg.scatter [tilespmem:s2], [sflag:$0x1], $0x80, v4, vm0, $0xb8;
	[tilespmem:$0x10080] =	vst v63  }
0x22: {  	v3 =	vperm.xlane v3, v2  }
0x23: {  	[hbm4b:s4+s2] =	stream.indirect_vreg.scatter [tilespmem:s20], [sflag:$0x1], $0x80, v4, vm0, $0xb8;
	[tilespmem:$0x10080] =	vst v63  }
0x24: {  	v3 =	vadd.s32 v1, v3  }
0x25: {  	[hbm4b:s5+s2] =	stream.indirect_vreg.scatter [tilespmem:s21], [sflag:$0x1], $0x80, v4, vm0, $0xb8;
	[tilespmem:$0x10080] =	vst v63  }
0x26: {  	_ = 	snop  }
0x27: {  	[hbm4b:s6+s2] =	stream.indirect_vreg.scatter [tilespmem:s22], [sflag:$0x1], $0x80, v4, vm0, $0xb8;
	[tilespmem:$0x10080] =	vst v63  }
0x28: {  	_ = 	snop  }
0x29: {  	[hbm4b:s3+s2] =	stream.indirect_vreg.scatter [tilespmem:s23], [sflag:$0x1], $0x80, v3, vm0, $0xb8;
	[tilespmem:$0x10080] =	vst v63  }
0x2a: {  	_ = 	snop  }
0x2b: {  	[hbm4b:s4+s2] =	stream.indirect_vreg.scatter [tilespmem:s24], [sflag:$0x1], $0x80, v3, vm0, $0xb8;
	[tilespmem:$0x10080] =	vst v63  }
0x2c: {  	_ = 	snop  }
0x2d: {  	[hbm4b:s5+s2] =	stream.indirect_vreg.scatter [tilespmem:s25], [sflag:$0x1], $0x80, v3, vm0, $0xb8;
	[tilespmem:$0x10080] =	vst v63  }
0x2e: {  	_ = 	snop  }
0x2f: {  	[hbm4b:s6+s2] =	stream.indirect_vreg.scatter [tilespmem:s26], [sflag:$0x1], $0x80, v3, vm0, $0xb8;
	[tilespmem:$0x10080] =	vst v63  }
0x30: {  	v3 =	vld [tilespmem:$0x10010];
	_ =	sdelay $0x4  }
0x31: {  	v57 =	vshll.u32 v3, $0x3  }
0x32: {  	v3 =	vand.u32 $0x7, v3;
	v4 =	vand.u32 $0xFFFFFFC0, v57  }
0x33: {  	v3 =	vor.u32 v3, v4  }
0x34: {  	v4 =	vperm.xlane v3, v0;
	_ =	sdelay $0x1  }
0x35: {  	v4 =	vadd.s32 v1, v4;
	_ =	sdelay $0x4  }
0x36: {  	[hbm4b:s3+s2] =	stream.indirect_vreg.scatter [tilespmem:s28], [sflag:$0x1], $0x80, v4, vm0, $0xb8;
	[tilespmem:$0x10080] =	vst v63  }
0x37: {  	v3 =	vperm.xlane v3, v2  }
0x38: {  	[hbm4b:s4+s2] =	stream.indirect_vreg.scatter [tilespmem:s29], [sflag:$0x1], $0x80, v4, vm0, $0xb8;
	[tilespmem:$0x10080] =	vst v63  }
0x39: {  	v3 =	vadd.s32 v1, v3  }
0x3a: {  	[hbm4b:s5+s2] =	stream.indirect_vreg.scatter [tilespmem:s30], [sflag:$0x1], $0x80, v4, vm0, $0xb8;
	[tilespmem:$0x10080] =	vst v63  }
0x3b: {  	_ = 	snop  }
0x3c: {  	[hbm4b:s6+s2] =	stream.indirect_vreg.scatter [tilespmem:s31], [sflag:$0x1], $0x80, v4, vm0, $0xb8;
	[tilespmem:$0x10080] =	vst v63  }
0x3d: {  	_ = 	snop  }
0x3e: {  	[hbm4b:s3+s2] =	stream.indirect_vreg.scatter [tilespmem:s1], [sflag:$0x1], $0x80, v3, vm0, $0xb8;
	[tilespmem:$0x10080] =	vst v63  }
0x3f: {  	s0 =	simm.s32 $0x6800  }
0x40: {  	[hbm4b:s4+s2] =	stream.indirect_vreg.scatter [tilespmem:s0], [sflag:$0x1], $0x80, v3, vm0, $0xb8;
	[tilespmem:$0x10080] =	vst v63  }
0x41: {  	_ = 	snop  }
0x42: {  	[hbm4b:s5+s2] =	stream.indirect_vreg.scatter [tilespmem:s9], [sflag:$0x1], $0x80, v3, vm0, $0xb8;
	[tilespmem:$0x10080] =	vst v63  }
0x43: {  	_ = 	snop  }
0x44: {  	[hbm4b:s6+s2] =	stream.indirect_vreg.scatter [tilespmem:s10], [sflag:$0x1], $0x80, v3, vm0, $0xb8;
	[tilespmem:$0x10080] =	vst v63  }
0x45: {  	v3 =	vld [tilespmem:$0x10020];
	_ =	sdelay $0x4  }
0x46: {  	v58 =	vshll.u32 v3, $0x3  }
0x47: {  	v3 =	vand.u32 $0x7, v3;
	v4 =	vand.u32 $0xFFFFFFC0, v58  }
0x48: {  	v3 =	vor.u32 v3, v4  }
0x49: {  	v4 =	vperm.xlane v3, v0;
	_ =	sdelay $0x1  }
0x4a: {  	v4 =	vadd.s32 v1, v4;
	_ =	sdelay $0x4  }
0x4b: {  	[hbm4b:s3+s2] =	stream.indirect_vreg.scatter [tilespmem:s11], [sflag:$0x1], $0x80, v4, vm0, $0xb8;
	[tilespmem:$0x10080] =	vst v63  }
0x4c: {  	v3 =	vperm.xlane v3, v2  }
0x4d: {  	[hbm4b:s4+s2] =	stream.indirect_vreg.scatter [tilespmem:s12], [sflag:$0x1], $0x80, v4, vm0, $0xb8;
	[tilespmem:$0x10080] =	vst v63  }
0x4e: {  	v3 =	vadd.s32 v1, v3  }
0x4f: {  	[hbm4b:s5+s2] =	stream.indirect_vreg.scatter [tilespmem:s13], [sflag:$0x1], $0x80, v4, vm0, $0xb8;
	[tilespmem:$0x10080] =	vst v63  }
0x50: {  	_ = 	snop  }
0x51: {  	[hbm4b:s6+s2] =	stream.indirect_vreg.scatter [tilespmem:s14], [sflag:$0x1], $0x80, v4, vm0, $0xb8;
	[tilespmem:$0x10080] =	vst v63  }
0x52: {  	_ = 	snop  }
0x53: {  	[hbm4b:s3+s2] =	stream.indirect_vreg.scatter [tilespmem:s15], [sflag:$0x1], $0x80, v3, vm0, $0xb8;
	[tilespmem:$0x10080] =	vst v63  }
0x54: {  	_ = 	snop  }
0x55: {  	[hbm4b:s4+s2] =	stream.indirect_vreg.scatter [tilespmem:s16], [sflag:$0x1], $0x80, v3, vm0, $0xb8;
	[tilespmem:$0x10080] =	vst v63  }
0x56: {  	s18 =	simm.s32 $0xB000  }
0x57: {  	[hbm4b:s5+s2] =	stream.indirect_vreg.scatter [tilespmem:s18], [sflag:$0x1], $0x80, v3, vm0, $0xb8;
	[tilespmem:$0x10080] =	vst v63  }
0x58: {  	s18 =	simm.s32 $0xB800  }
0x59: {  	[hbm4b:s6+s2] =	stream.indirect_vreg.scatter [tilespmem:s18], [sflag:$0x1], $0x80, v3, vm0, $0xb8;
	[tilespmem:$0x10080] =	vst v63  }
0x5a: {  	v3 =	vld [tilespmem:$0x10030];
	_ =	sdelay $0x4  }
0x5b: {  	v59 =	vshll.u32 v3, $0x3  }
0x5c: {  	v3 =	vand.u32 $0x7, v3;
	v4 =	vand.u32 $0xFFFFFFC0, v59  }
0x5d: {  	v3 =	vor.u32 v3, v4  }
0x5e: {  	v4 =	vperm.xlane v3, v0;
	_ =	sdelay $0x1  }
0x5f: {  	v4 =	vadd.s32 v1, v4;
	_ =	sdelay $0x3  }
0x60: {  	s18 =	simm.s32 $0xC000  }
0x61: {  	[hbm4b:s3+s2] =	stream.indirect_vreg.scatter [tilespmem:s18], [sflag:$0x1], $0x80, v4, vm0, $0xb8;
	[tilespmem:$0x10080] =	vst v63  }
0x62: {  	v3 =	vperm.xlane v3, v2;
	s18 =	simm.s32 $0xC800  }
0x63: {  	[hbm4b:s4+s2] =	stream.indirect_vreg.scatter [tilespmem:s18], [sflag:$0x1], $0x80, v4, vm0, $0xb8;
	[tilespmem:$0x10080] =	vst v63  }
0x64: {  	v3 =	vadd.s32 v1, v3;
	s18 =	simm.s32 $0xD000  }
0x65: {  	[hbm4b:s5+s2] =	stream.indirect_vreg.scatter [tilespmem:s18], [sflag:$0x1], $0x80, v4, vm0, $0xb8;
	[tilespmem:$0x10080] =	vst v63  }
0x66: {  	s18 =	simm.s32 $0xD800  }
0x67: {  	[hbm4b:s6+s2] =	stream.indirect_vreg.scatter [tilespmem:s18], [sflag:$0x1], $0x80, v4, vm0, $0xb8;
	[tilespmem:$0x10080] =	vst v63  }
0x68: {  	s18 =	simm.s32 $0xE000  }
0x69: {  	[hbm4b:s3+s2] =	stream.indirect_vreg.scatter [tilespmem:s18], [sflag:$0x1], $0x80, v3, vm0, $0xb8;
	[tilespmem:$0x10080] =	vst v63  }
0x6a: {  	s18 =	simm.s32 $0xE800  }
0x6b: {  	[hbm4b:s4+s2] =	stream.indirect_vreg.scatter [tilespmem:s18], [sflag:$0x1], $0x80, v3, vm0, $0xb8;
	[tilespmem:$0x10080] =	vst v63  }
0x6c: {  	s18 =	simm.s32 $0xF000  }
0x6d: {  	[hbm4b:s5+s2] =	stream.indirect_vreg.scatter [tilespmem:s18], [sflag:$0x1], $0x80, v3, vm0, $0xb8;
	[tilespmem:$0x10080] =	vst v63  }
0x6e: {  	s18 =	simm.s32 $0xF800  }
0x6f: {  	[hbm4b:s6+s2] =	stream.indirect_vreg.scatter [tilespmem:s18], [sflag:$0x1], $0x80, v3, vm0, $0xb8;
	[tilespmem:$0x10080] =	vst v63  }
0x70: {  	_ =	swait.ge [sflag:s17], $0x10000  }
0x71: {  	[sflag:s17] =	ssyncset.done $0x0  }
0x72: {  	s18 =	rddreg [dreg:$0x4];
	[sflag:s17] =	ssyncadd.s32 $0xFFFF0000  }
0x73: {  	[tilespmem:s19], [sflag:$0x2] =	stream.linear.gather [hbm4b:s18+s2], $0x40, $0x38;
	[tilespmem:$0x10080] =	vst v63  }
0x74: {  	_ =	swait.ge [sflag:s8], $0x40  }
0x75: {  	[sflag:s8] =	ssyncset.done $0x0  }
0x76: {  	[sflag:s8] =	ssyncadd.s32 $0xFFFFFFC0  }
0x77: {  	v3 =	vld [tilespmem:$0x10000];
	_ =	sdelay $0x4  }
0x78: {  	v60 =	vshll.u32 v3, $0x3  }
0x79: {  	v3 =	vand.u32 $0x7, v3;
	v4 =	vand.u32 $0xFFFFFFC0, v60  }
0x7a: {  	v3 =	vor.u32 v3, v4  }
0x7b: {  	v4 =	vperm.xlane v3, v0;
	_ =	sdelay $0x1  }
0x7c: {  	v4 =	vadd.s32 v1, v4;
	_ =	sdelay $0x4  }
0x7d: {  	[hbm4b:s3+s2] =	stream.indirect_vreg.scatter [tilespmem:s2], [sflag:$0x1], $0x80, v4, vm0, $0xb8;
	[tilespmem:$0x10080] =	vst v63  }
0x7e: {  	v3 =	vperm.xlane v3, v2  }
0x7f: {  	[hbm4b:s4+s2] =	stream.indirect_vreg.scatter [tilespmem:s20], [sflag:$0x1], $0x80, v4, vm0, $0xb8;
	[tilespmem:$0x10080] =	vst v63  }
0x80: {  	v3 =	vadd.s32 v1, v3  }
0x81: {  	[hbm4b:s5+s2] =	stream.indirect_vreg.scatter [tilespmem:s21], [sflag:$0x1], $0x80, v4, vm0, $0xb8;
	[tilespmem:$0x10080] =	vst v63  }
0x82: {  	_ = 	snop  }
0x83: {  	[hbm4b:s6+s2] =	stream.indirect_vreg.scatter [tilespmem:s22], [sflag:$0x1], $0x80, v4, vm0, $0xb8;
	[tilespmem:$0x10080] =	vst v63  }
0x84: {  	_ = 	snop  }
0x85: {  	[hbm4b:s3+s2] =	stream.indirect_vreg.scatter [tilespmem:s23], [sflag:$0x1], $0x80, v3, vm0, $0xb8;
	[tilespmem:$0x10080] =	vst v63  }
0x86: {  	_ = 	snop  }
0x87: {  	[hbm4b:s4+s2] =	stream.indirect_vreg.scatter [tilespmem:s24], [sflag:$0x1], $0x80, v3, vm0, $0xb8;
	[tilespmem:$0x10080] =	vst v63  }
0x88: {  	_ = 	snop  }
0x89: {  	[hbm4b:s5+s2] =	stream.indirect_vreg.scatter [tilespmem:s25], [sflag:$0x1], $0x80, v3, vm0, $0xb8;
	[tilespmem:$0x10080] =	vst v63  }
0x8a: {  	_ = 	snop  }
0x8b: {  	[hbm4b:s6+s2] =	stream.indirect_vreg.scatter [tilespmem:s26], [sflag:$0x1], $0x80, v3, vm0, $0xb8;
	[tilespmem:$0x10080] =	vst v63  }
0x8c: {  	v3 =	vld [tilespmem:$0x10010];
	_ =	sdelay $0x4  }
0x8d: {  	v61 =	vshll.u32 v3, $0x3  }
0x8e: {  	v3 =	vand.u32 $0x7, v3;
	v4 =	vand.u32 $0xFFFFFFC0, v61  }
0x8f: {  	v3 =	vor.u32 v3, v4  }
0x90: {  	v4 =	vperm.xlane v3, v0;
	_ =	sdelay $0x1  }
0x91: {  	v4 =	vadd.s32 v1, v4;
	_ =	sdelay $0x4  }
0x92: {  	[hbm4b:s3+s2] =	stream.indirect_vreg.scatter [tilespmem:s28], [sflag:$0x1], $0x80, v4, vm0, $0xb8;
	[tilespmem:$0x10080] =	vst v63  }
0x93: {  	v3 =	vperm.xlane v3, v2  }
0x94: {  	[hbm4b:s4+s2] =	stream.indirect_vreg.scatter [tilespmem:s29], [sflag:$0x1], $0x80, v4, vm0, $0xb8;
	[tilespmem:$0x10080] =	vst v63  }
0x95: {  	v3 =	vadd.s32 v1, v3  }
0x96: {  	[hbm4b:s5+s2] =	stream.indirect_vreg.scatter [tilespmem:s30], [sflag:$0x1], $0x80, v4, vm0, $0xb8;
	[tilespmem:$0x10080] =	vst v63  }
0x97: {  	_ = 	snop  }
0x98: {  	[hbm4b:s6+s2] =	stream.indirect_vreg.scatter [tilespmem:s31], [sflag:$0x1], $0x80, v4, vm0, $0xb8;
	[tilespmem:$0x10080] =	vst v63  }
0x99: {  	_ = 	snop  }
0x9a: {  	[hbm4b:s3+s2] =	stream.indirect_vreg.scatter [tilespmem:s1], [sflag:$0x1], $0x80, v3, vm0, $0xb8;
	[tilespmem:$0x10080] =	vst v63  }
0x9b: {  	_ = 	snop  }
0x9c: {  	[hbm4b:s4+s2] =	stream.indirect_vreg.scatter [tilespmem:s0], [sflag:$0x1], $0x80, v3, vm0, $0xb8;
	[tilespmem:$0x10080] =	vst v63  }
0x9d: {  	_ = 	snop  }
0x9e: {  	[hbm4b:s5+s2] =	stream.indirect_vreg.scatter [tilespmem:s9], [sflag:$0x1], $0x80, v3, vm0, $0xb8;
	[tilespmem:$0x10080] =	vst v63  }
0x9f: {  	_ = 	snop  }
0xa0: {  	[hbm4b:s6+s2] =	stream.indirect_vreg.scatter [tilespmem:s10], [sflag:$0x1], $0x80, v3, vm0, $0xb8;
	[tilespmem:$0x10080] =	vst v63  }
0xa1: {  	v3 =	vld [tilespmem:$0x10020];
	_ =	sdelay $0x4  }
0xa2: {  	v62 =	vshll.u32 v3, $0x3  }
0xa3: {  	v3 =	vand.u32 $0x7, v3;
	v4 =	vand.u32 $0xFFFFFFC0, v62  }
0xa4: {  	v3 =	vor.u32 v3, v4  }
0xa5: {  	v4 =	vperm.xlane v3, v0;
	_ =	sdelay $0x1  }
0xa6: {  	v4 =	vadd.s32 v1, v4;
	_ =	sdelay $0x4  }
0xa7: {  	[hbm4b:s3+s2] =	stream.indirect_vreg.scatter [tilespmem:s11], [sflag:$0x1], $0x80, v4, vm0, $0xb8;
	[tilespmem:$0x10080] =	vst v63  }
0xa8: {  	v3 =	vperm.xlane v3, v2  }
0xa9: {  	[hbm4b:s4+s2] =	stream.indirect_vreg.scatter [tilespmem:s12], [sflag:$0x1], $0x80, v4, vm0, $0xb8;
	[tilespmem:$0x10080] =	vst v63  }
0xaa: {  	v3 =	vadd.s32 v1, v3  }
0xab: {  	[hbm4b:s5+s2] =	stream.indirect_vreg.scatter [tilespmem:s13], [sflag:$0x1], $0x80, v4, vm0, $0xb8;
	[tilespmem:$0x10080] =	vst v63  }
0xac: {  	_ = 	snop  }
0xad: {  	[hbm4b:s6+s2] =	stream.indirect_vreg.scatter [tilespmem:s14], [sflag:$0x1], $0x80, v4, vm0, $0xb8;
	[tilespmem:$0x10080] =	vst v63  }
0xae: {  	_ = 	snop  }
0xaf: {  	[hbm4b:s3+s2] =	stream.indirect_vreg.scatter [tilespmem:s15], [sflag:$0x1], $0x80, v3, vm0, $0xb8;
	[tilespmem:$0x10080] =	vst v63  }
0xb0: {  	_ = 	snop  }
0xb1: {  	[hbm4b:s4+s2] =	stream.indirect_vreg.scatter [tilespmem:s16], [sflag:$0x1], $0x80, v3, vm0, $0xb8;
	[tilespmem:$0x10080] =	vst v63  }
0xb2: {  	s18 =	simm.s32 $0xB000  }
0xb3: {  	[hbm4b:s5+s2] =	stream.indirect_vreg.scatter [tilespmem:s18], [sflag:$0x1], $0x80, v3, vm0, $0xb8;
	[tilespmem:$0x10080] =	vst v63  }
0xb4: {  	s18 =	simm.s32 $0xB800  }
0xb5: {  	[hbm4b:s6+s2] =	stream.indirect_vreg.scatter [tilespmem:s18], [sflag:$0x1], $0x80, v3, vm0, $0xb8;
	[tilespmem:$0x10080] =	vst v63  }
0xb6: {  	v3 =	vld [tilespmem:$0x10030];
	_ =	sdelay $0x4  }
0xb7: {  	v63 =	vshll.u32 v3, $0x3  }
0xb8: {  	v3 =	vand.u32 $0x7, v3;
	v4 =	vand.u32 $0xFFFFFFC0, v63  }
0xb9: {  	v3 =	vor.u32 v3, v4  }
0xba: {  	v4 =	vperm.xlane v3, v0;
	_ =	sdelay $0x1  }
0xbb: {  	v4 =	vadd.s32 v1, v4;
	_ =	sdelay $0x3  }
0xbc: {  	s18 =	simm.s32 $0xC000  }
0xbd: {  	[hbm4b:s3+s2] =	stream.indirect_vreg.scatter [tilespmem:s18], [sflag:$0x1], $0x80, v4, vm0, $0xb8;
	[tilespmem:$0x10080] =	vst v63  }
0xbe: {  	v3 =	vperm.xlane v3, v2;
	s18 =	simm.s32 $0xC800  }
0xbf: {  	[hbm4b:s4+s2] =	stream.indirect_vreg.scatter [tilespmem:s18], [sflag:$0x1], $0x80, v4, vm0, $0xb8;
	[tilespmem:$0x10080] =	vst v63  }
0xc0: {  	v3 =	vadd.s32 v1, v3;
	s18 =	simm.s32 $0xD000  }
0xc1: {  	[hbm4b:s5+s2] =	stream.indirect_vreg.scatter [tilespmem:s18], [sflag:$0x1], $0x80, v4, vm0, $0xb8;
	[tilespmem:$0x10080] =	vst v63  }
0xc2: {  	s18 =	simm.s32 $0xD800  }
0xc3: {  	[hbm4b:s6+s2] =	stream.indirect_vreg.scatter [tilespmem:s18], [sflag:$0x1], $0x80, v4, vm0, $0xb8;
	[tilespmem:$0x10080] =	vst v63  }
0xc4: {  	s18 =	simm.s32 $0xE000  }
0xc5: {  	[hbm4b:s3+s2] =	stream.indirect_vreg.scatter [tilespmem:s18], [sflag:$0x1], $0x80, v3, vm0, $0xb8;
	[tilespmem:$0x10080] =	vst v63  }
0xc6: {  	s18 =	simm.s32 $0xE800  }
0xc7: {  	[hbm4b:s4+s2] =	stream.indirect_vreg.scatter [tilespmem:s18], [sflag:$0x1], $0x80, v3, vm0, $0xb8;
	[tilespmem:$0x10080] =	vst v63  }
0xc8: {  	p0 =	sne.s32 s7, $0x1;
	s18 =	simm.s32 $0xF000  }
0xc9: {  	[hbm4b:s5+s2] =	stream.indirect_vreg.scatter [tilespmem:s18], [sflag:$0x1], $0x80, v3, vm0, $0xb8;
	[tilespmem:$0x10080] =	vst v63  }
.Ltmp0:
0xca: {  	s18 =	simm.s32 $0xF800;
	(pc) =	sbr.rel @p0 .LBB2_1-.Ltmp0, $4  }
0xcb: {  	[hbm4b:s6+s2] =	stream.indirect_vreg.scatter [tilespmem:s18], [sflag:$0x1], $0x80, v3, vm0, $0xb8;
	[tilespmem:$0x10080] =	vst v63  }
0xcc: {  	_ =	swait.ge [sflag:s17], $0x10000  }
0xcd: {  	[sflag:s17] =	ssyncset.done $0x0  }
0xce: {  	s7 =	sadd.s32 $0xFFFFFFFF, s7;
	[sflag:s17] =	ssyncadd.s32 $0xFFFF0000  }
0xcf: {  	_ =	sfence.sel $0x180000  }
0xd0: {  	[bflag:$0x0] =	sbarrier.arrive $0xFFFF  }
0xd1: {  	_ =	strace $0x90000047  }
0xd2: {  	s0 =	stileid.u32;
	[bflag:$0x2] =	sbarrier.arrive $0xFFFF  }
0xd3: {  	p0 =	sne.s32 s0, $0x0;
	s0 =	rddreg [dreg:$0x1]  }
0xd4: {  	s0 =	sadd.s32 @!p0 $0x100000, s0  }
0xd5: {  	[sflag:s0] =	ssyncadd.tile.s32 @!p0 $0x1;
	_ =	shalt  }
.Lfunc_end2:
_tile_overlayer_lowered:
.L_overlay_start_2:
0xd6: {  	(tag) =	ssettag $0x2  }
0xd7: {  	s0 =	rddreg [dreg:$0x0];
	s2 =	stileid.u32  }
0xd8: {  	s1 =	rddreg [dreg:$0x1];
	p0 =	sne.s32 s2, $0x0  }
0xd9: {  	s3 =	rddreg [dreg:$0x2];
	[bflag:$0x3] =	sbarrier.arrive $0xFFFF;
	s2 =	simm.s32 @!p0 $0x1C02  }
0xda: {  	[timem:s3], [sflag:s2] =	dma.local @!p0 [hbm:s0], s1  }
0xdb: {  	s0 =	simm.s32 @!p0 $0x2  }
0xdc: {  	_ =	swait.ge @!p0 [sflag:s0], s1  }
0xdd: {  	s1 =	ssub.s32 @!p0 $0x0, s1;
	[sflag:s0] =	ssyncset.done @!p0 $0x0  }
0xde: {  	[sflag:s0] =	ssyncadd.s32 @!p0 s1  }
0xdf: {  	[bflag:$0x3] =	sbarrier.arrive $0xFFFF  }
0xe0: {  	_ =	shalt  }

// kernel: kernel.9.cloned.1.call-start
scs
__scs_entry_jumppad:
0x0: {  	(pc) =	sbr.rel $0x88, $3  }
0x1: {  	(tag) =	ssettag $0x0;
	lr =	simm.s32 $0x1  }
0x2: {  	[smem:$0x3F9C] =	sst lr;
	_ =	strace $0xD0000000  }
0x3: {  	_ = 	snop  }
0x4: {  	_ = 	snop  }
0x5: {  	_ = 	snop  }
0x6: {  	_ = 	snop  }
0x7: {  	_ = 	snop  }
__scs_overlays_trampoline_lowered:
0x8: {  	[smem:$0x3FAB] =	sst s0  }
0x9: {  	[smem:$0x3FAC] =	sst s1  }
0xa: {  	[smem:$0x3FAD] =	sst s2  }
0xb: {  	[smem:$0x3FAE] =	sst s3  }
0xc: {  	[smem:$0x3FAF] =	sst s4  }
0xd: {  	[smem:$0x3FB0] =	sst s5  }
0xe: {  	[smem:$0x3FB1] =	sst s6  }
0xf: {  	[smem:$0x3FB2] =	sst s7  }
0x10: {  	[smem:$0x3FB3] =	sst s8  }
0x11: {  	[smem:$0x3FB4] =	sst s9;
	s0 =	simm.s32 @!p0 $0x0  }
0x12: {  	s1 =	sld [smem:$0x3F9A];
	s0 =	simm.s32 @p0 $0x1  }
0x13: {  	[smem:$0x3FB5] =	sst s0;
	s0 =	simm.s32 @!p1 $0x0  }
0x14: {  	s2 =	sld [smem:$0x3F99];
	s0 =	simm.s32 @p1 $0x1  }
0x15: {  	[smem:$0x3FB6] =	sst s0;
	s0 =	simm.s32 @!p2 $0x0  }
0x16: {  	s3 =	sld [smem:$0x3FDB];
	s0 =	simm.s32 @p2 $0x1  }
0x17: {  	s4 =	simm.s32 $0x1BF5;
	[smem:$0x3FB8] =	sst s0  }
0x18: {  	s0 =	sld [smem:$0x3F9B];
	_ =	swait.ge [sflag:s4], $0x0  }
0x19: {  	s7 =	sld [smem:$0x3F9C]  }
0x1a: {  	s8 =	sadd.s32 $0xFFFFE003, lr  }
0x1b: {  	s9 =	sadd.s32 $0xFFFFFEF7, lr;
	s5 =	simm.s32 $0xFFFFFFFF;
	p2 =	slt.u32 s8, $0xFFFFF086  }
0x1c: {  	p1 =	slt.u32 s9, $0xF7A;
	s5 =	simm.s32 @!p2 $0x0  }
0x1d: {  	s5 =	simm.s32 @p1 $0x1;
	p0 =	seq.s32 s7, s2  }
0x1e: {  	s7 =	smul.u32 @!p0 $0xF7A, s2;
	p2 =	seq.s32 @!p0 s5, $0x0  }
0x1f: {  	s9 =	smul.u32 $0xF7A, s1;
	s8 =	simm.s32 @!p0 $0x1BF5;
	p2 =	por !p2, p0  }
0x20: {  	[sflag:s8] =	ssyncset.s32 @!p0 $0xFFFFF086;
	s6 =	sadd.s32 @!p0 s3, s7;
	s7 =	simm.s32 @!p0 $0x108  }
0x21: {  	s3 =	sadd.s32 s3, s9;
	s6 =	sadd.s32 @!p0 $0x88, s6;
	s7 =	simm.s32 @p2 $0x1082  }
0x22: {  	[simem:s7], [sflag:s8] =	dma.local @!p0 [hbm:s6], $0xF7A  }
0x23: {  	s9 =	sor.u32 $0xD0000000, s2;
	s6 =	simm.s32 $0x108;
	_ =	swait.ge @!p0 [sflag:s8], $0x0  }
0x24: {  	s3 =	sadd.s32 $0x88, s3;
	s6 =	simm.s32 @!p1 $0x1082;
	[sflag:s4] =	ssyncset.s32 $0xFFFFF086  }
0x25: {  	[simem:s6], [sflag:s4] =	dma.local [hbm:s3], $0xF7A  }
0x26: {  	[smem:$0x3F9C] =	sst s1;
	(tag) =	ssettag s2;
	_ =	strace s9  }
0x27: {  	s1 =	sld [smem:$0x3FAC]  }
0x28: {  	s2 =	sld [smem:$0x3FAD]  }
0x29: {  	s4 =	sld [smem:$0x3FAF]  }
0x2a: {  	p0 =	seq.s32 s5, $0x0;
	s5 =	sld [smem:$0x3FB0]  }
0x2b: {  	s6 =	sld [smem:$0x3FB1]  }
0x2c: {  	s7 =	sld [smem:$0x3FB2]  }
0x2d: {  	s3 =	simm.s32 $0x108;
	s8 =	sld [smem:$0x3FB3]  }
0x2e: {  	s3 =	simm.s32 @!p0 $0x1082;
	s9 =	sld [smem:$0x3FB4]  }
0x2f: {  	lr =	sadd.s32 s0, s3;
	s0 =	sld [smem:$0x3FAB]  }
0x30: {  	s3 =	sld [smem:$0x3FAE]  }
0x31: {  	[smem:$0x3FB7] =	sst s10  }
0x32: {  	s10 =	sld [smem:$0x3FB5];
	_ =	sdelay $0x3  }
0x33: {  	p0 =	seq.s32 s10, $0x1;
	s10 =	sld [smem:$0x3FB7];
	_ =	sdelay $0x3  }
0x34: {  	[smem:$0x3FB7] =	sst s10  }
0x35: {  	s10 =	sld [smem:$0x3FB6];
	_ =	sdelay $0x3  }
0x36: {  	p1 =	seq.s32 s10, $0x1;
	s10 =	sld [smem:$0x3FB7];
	_ =	sdelay $0x3  }
0x37: {  	[smem:$0x3FB7] =	sst s10  }
0x38: {  	s10 =	sld [smem:$0x3FB8]  }
0x39: {  	_ = 	snop;
	(pc) =	sbr.ind lr, $3  }
0x3a: {  	_ = 	snop  }
0x3b: {  	_ = 	snop  }
0x3c: {  	p2 =	seq.s32 s10, $0x1;
	s10 =	sld [smem:$0x3FB7]  }
0x3d: {  	_ =	shalt  }
0x3e: {  	_ =	shalt  }
0x3f: {  	_ =	shalt  }
0x40: {  	_ =	shalt  }
0x41: {  	_ =	shalt  }
0x42: {  	_ =	shalt  }
0x43: {  	_ =	shalt  }
0x44: {  	_ =	shalt  }
0x45: {  	_ =	shalt  }
0x46: {  	_ =	shalt  }
0x47: {  	_ =	shalt  }
0x48: {  	_ =	shalt  }
0x49: {  	_ =	shalt  }
0x4a: {  	_ =	shalt  }
0x4b: {  	_ =	shalt  }
0x4c: {  	_ =	shalt  }
0x4d: {  	_ =	shalt  }
0x4e: {  	_ =	shalt  }
0x4f: {  	_ =	shalt  }
0x50: {  	_ =	shalt  }
0x51: {  	_ =	shalt  }
0x52: {  	_ =	shalt  }
0x53: {  	_ =	shalt  }
0x54: {  	_ =	shalt  }
0x55: {  	_ =	shalt  }
0x56: {  	_ =	shalt  }
0x57: {  	_ =	shalt  }
0x58: {  	_ =	shalt  }
0x59: {  	_ =	shalt  }
0x5a: {  	_ =	shalt  }
0x5b: {  	_ =	shalt  }
0x5c: {  	_ =	shalt  }
0x5d: {  	_ =	shalt  }
0x5e: {  	_ =	shalt  }
0x5f: {  	_ =	shalt  }
0x60: {  	_ =	shalt  }
0x61: {  	_ =	shalt  }
0x62: {  	_ =	shalt  }
0x63: {  	_ =	shalt  }
0x64: {  	_ =	shalt  }
0x65: {  	_ =	shalt  }
0x66: {  	_ =	shalt  }
0x67: {  	_ =	shalt  }
0x68: {  	_ =	shalt  }
0x69: {  	_ =	shalt  }
0x6a: {  	_ =	shalt  }
0x6b: {  	_ =	shalt  }
0x6c: {  	_ =	shalt  }
0x6d: {  	_ =	shalt  }
0x6e: {  	_ =	shalt  }
0x6f: {  	_ =	shalt  }
0x70: {  	_ =	shalt  }
0x71: {  	_ =	shalt  }
0x72: {  	_ =	shalt  }
0x73: {  	_ =	shalt  }
0x74: {  	_ =	shalt  }
0x75: {  	_ =	shalt  }
0x76: {  	_ =	shalt  }
0x77: {  	_ =	shalt  }
0x78: {  	_ =	shalt  }
0x79: {  	_ =	shalt  }
0x7a: {  	_ =	shalt  }
0x7b: {  	_ =	shalt  }
0x7c: {  	_ =	shalt  }
0x7d: {  	_ =	shalt  }
0x7e: {  	_ =	shalt  }
0x7f: {  	_ =	shalt  }
0x80: {  	_ =	shalt  }
0x81: {  	_ =	shalt  }
0x82: {  	_ =	shalt  }
0x83: {  	_ =	shalt  }
0x84: {  	_ =	shalt  }
0x85: {  	_ =	shalt  }
0x86: {  	_ =	shalt  }
0x87: {  	_ =	shalt  }
.Lfunc_end0:
.L_simem_size_0:
called_computation.1_lowered:
.L_overlay_start_0:
0x88: {  	s2 =	sld [smem:$0x3FD9]  }
0x89: {  	s3 =	sld [smem:$0x3FFE];
	_ =	sdelay $0x1  }
0x8a: {  	s1 =	srdreg.scid  }
0x8b: {  	s0 =	sand.u32 $0x1, s1  }
0x8c: {  	s14 =	sshll.u32 s0, $0xA;
	s2 =	sadd.s32 s3, s2  }
0x8d: {  	s2 =	sadd.s32 s2, s14  }
0x8e: {  	[smem:$0x3FC3] =	sst s2  }
0x8f: {  	_ = 	snop  }
0x90: {  	s2 =	sld [smem:$0x3FD0];
	_ =	sdelay $0x2  }
0x91: {  	s15 =	simm.s32 $0xA;
	s4 =	simm.s32 $0x10  }
0x92: {  	[smem:s4], [sflag:s15] =	dma.local [hbm:s2], $0x1  }
0x93: {  	_ =	swait.eq [sflag:s15], $0x1  }
0x94: {  	[sflag:s15] =	ssyncset.done $0x0  }
0x95: {  	[sflag:s15] =	ssyncadd.s32 $0xFFFFFFFF  }
0x96: {  	s16 =	sld [smem:$0x10];
	(tm) =	ssettm $0x1  }
0x97: {  	s17 =	sld [smem:$0x3FFB];
	_ =	sdelay $0x3  }
0x98: {  	_ =	strace s17  }
0x99: {  	s3 =	sld [smem:$0x3FFC];
	_ =	sdelay $0x3  }
0x9a: {  	_ =	strace s3  }
0x9b: {  	s3 =	sld [smem:$0x3FFD];
	_ =	sdelay $0x3  }
0x9c: {  	_ =	strace s3  }
0x9d: {  	_ =	strace $0x8FFFFFFF  }
0x9e: {  	s18 =	sld [smem:$0x3FDB];
	_ =	sdelay $0x1  }
0x9f: {  	s19 =	simm.s32 $_scs_section_size  }
0xa0: {  	s5 =	simm.s32 $_size__tile_overlayer_lowered;
	s6 =	simm.s32 $_tile_overlayer_lowered  }
0xa1: {  	s22 =	simm.s32 $0x1BFF;
	s21 =	sshll.u32 s6, $0x1;
	s3 =	sadd.s32 s19, s18  }
0xa2: {  	s7 =	simm.s32 $0x0;
	s20 =	sshll.u32 s5, $0x1;
	s5 =	sadd.s32 s21, s3  }
0xa3: {  	[timem:s7], [sflag:s22] =	dma.local [hbm:s5], s20  }
0xa4: {  	_ =	swait.ge [sflag:s22], s20  }
0xa5: {  	s4 =	ssub.s32 $0x0, s20;
	[sflag:s22] =	ssyncset.done $0x0  }
0xa6: {  	[sflag:s22] =	ssyncadd.s32 s4;
	_ =	sdelay $0x1  }
0xa7: {  	s23 =	simm.s32 $0x1B8B  }
0xa8: {  	_ =	swait.ge [sflag:s23], $0x1  }
0xa9: {  	[sflag:s23] =	ssyncset.done $0x0  }
0xaa: {  	s25 =	simm.s32 $0x1B8E;
	s24 =	sld [smem:$0x3FFE];
	[sflag:s23] =	ssyncadd.s32 $0xFFFFFFFF  }
0xab: {  	s26 =	simm.s32 $execute0_lowered;
	[smem:$0x3FD2] =	sst s25  }
0xac: {  	s5 =	sshll.u32 s26, $0x1;
	_ =	strace $0x80000049;
	[dreg:$0x1] =	wrdreg $0xFFFFFFFF  }
0xad: {  	s28 =	simm.s32 $_size_execute0_lowered;
	s3 =	sadd.s32 s3, s5;
	[dreg:$0x0] =	wrdreg $0x0  }
0xae: {  	s5 =	sshll.u32 s28, $0x1;
	[dreg:$0x2] =	wrdreg s3  }
0xaf: {  	[dreg:$0x3] =	wrdreg s5  }
0xb0: {  	[dreg:$0x4] =	wrdreg $0xC0  }
0xb1: {  	_ =	task [dreg:s7], $0x5FFFF  }
0xb2: {  	[dreg:$0x1] =	wrdreg $0xFFFFFFFF  }
0xb3: {  	[dreg:$0x0] =	wrdreg $0x60  }
0xb4: {  	[dreg:$0x2] =	wrdreg s24  }
0xb5: {  	[dreg:$0x3] =	wrdreg s16  }
0xb6: {  	[dreg:$0x4] =	wrdreg $0x9  }
0xb7: {  	_ =	task.clear_ibuf [dreg:s7], $0x5FFFF;
	_ =	strace $0x90000049  }
0xb8: {  	s29 =	simm.s32 $0x9;
	_ =	strace $0x8000004B  }
0xb9: {  	_ =	swait.ge [sflag:s29], $0x1  }
0xba: {  	[sflag:s29] =	ssyncadd.s32 $0xFFFFFFFF  }
0xbb: {  	_ =	strace $0x9000004B  }
0xbc: {  	_ =	sfence  }
0xbd: {  	s30 =	sld [smem:$0x0];
	_ =	sdelay $0x2  }
0xbe: {  	s31 =	sshll.u32 s1, $0xD;
	s1 =	sshrl.u32 s1, $0x2  }
0xbf: {  	s3 =	sand.u32 $0x4000, s31;
	s1 =	sadd.s32 s1, s30  }
0xc0: {  	s0 =	sor.u32 s3, s0;
	s1 =	sshll.u32 s1, $0x11  }
0xc1: {  	s0 =	sor.u32 s1, s0  }
0xc2: {  	s0 =	sadd.s32 $0x8F2B, s0  }
0xc3: {  	[sflag:s0] =	ssyncadd.remote.s32 $0x1  }
0xc4: {  	_ =	sfence.sel $0xFFFF  }
0xc5: {  	[dreg:$0x0] =	wrdreg $0xFFFFFFFF;
	(pc) =	sbr.abs _section_cstart, $3  }
0xc6: {  	[dreg:$0x1] =	wrdreg $0xFFFFFFFF  }
0xc7: {  	_ =	task.clear_ibuf [dreg:s7], $0x2FFFF;
	_ =	strace $0x9FFFFFFF  }
0xc8: {  	(tm) =	ssettm $0x7FFFFFFF  }
0xc9: {  	_ =	shalt  }
tec
execute0_lowered:
.L_overlay_start_1:
0x0: {  	(tag) =	ssettag $0x1  }
0x1: {  	s0 =	rddreg [dreg:$0x0]  }
0x2: {  	s2 =	rddreg [dreg:$0x1];
	s1 =	simm.s32 $0x0  }
0x3: {  	s4 =	srdreg.scid;
	s6 =	stileid.u32;
	s14 =	simm.s32 $0xB000  }
0x4: {  	s15 =	simm.s32 $0xC000;
	s16 =	simm.s32 $0xD800;
	s28 =	simm.s32 $0xF800  }
0x5: {  	s29 =	simm.s32 $0x10000;
	s30 =	simm.s32 $0x11000;
	s31 =	simm.s32 $0x0  }
0x6: {  	[smem:$0x7FF] =	sst s1;
	s3 =	sadd.s32 $0x108400, s0;
	s8 =	sadd.s32 $0x48000, s0  }
0x7: {  	s4 =	sand.u32 $0x1, s4;
	s6 =	sshll.u32 s6, $0x7;
	s9 =	sadd.s32 $0x48200, s0  }
0x8: {  	s10 =	sadd.s32 $0x40000, s0;
	s5 =	ssub.s32 $0x2, s4;
	s4 =	sshll.u32 s4, $0x6  }
0x9: {  	_ =	strace $0x8000004A;
	s7 =	sshrl.u32 s5, $0x1;
	s4 =	sor.u32 s4, s6  }
0xa: {  	s6 =	sadd.s32 $0x108600, s0;
	s11 =	ssub.s32 s5, s7;
	s12 =	sshrl.u32 s4, $0x3  }
0xb: {  	s5 =	sadd.s32 $0x108500, s0;
	s7 =	sadd.s32 $0x108700, s0;
	s18 =	sshll.u32 s4, $0x4  }
0xc: {  	s19 =	sshll.u32 s4, $0x7;
	s4 =	sor.u32 $0x20, s4;
	s17 =	sadd.s32 s8, s12  }
0xd: {  	s12 =	sadd.s32 s9, s12;
	s13 =	sadd.s32 s2, s18;
	s20 =	sadd.s32 s0, s19  }
0xe: {  	s21 =	sshrl.u32 s4, $0x3;
	s23 =	sshll.u32 s4, $0x4;
	[dreg:$0x3] =	wrdreg s17  }
0xf: {  	s25 =	sshll.u32 s4, $0x7;
	s26 =	smax.u32 s11, $0x1;
	[dreg:$0x4] =	wrdreg s12  }
0x10: {  	s19 =	simm.s32 $0x2;
	[dreg:$0x5] =	wrdreg s13;
	s12 =	sadd.s32 s10, s18  }
0x11: {  	[dreg:$0x7] =	wrdreg s20;
	s8 =	sadd.s32 s8, s21;
	s22 =	sadd.s32 s9, s21  }
0x12: {  	s2 =	sadd.s32 s2, s23;
	s24 =	sadd.s32 s10, s23;
	[dreg:$0xd] =	wrdreg s26  }
0x13: {  	s0 =	sadd.s32 s0, s25;
	s18 =	simm.s32 $0x12000;
	[dreg:$0x6] =	wrdreg s12  }
0x14: {  	s9 =	simm.s32 $0x1;
	s13 =	simm.s32 $0x9800;
	[dreg:$0x8] =	wrdreg s8  }
0x15: {  	s20 =	simm.s32 $0xA000;
	s21 =	simm.s32 $0xA800;
	[dreg:$0x9] =	wrdreg s22  }
0x16: {  	v2 =	vlaneseq.u32;
	s23 =	simm.s32 $0xC800;
	s25 =	simm.s32 $0xE000;
	[dreg:$0xa] =	wrdreg s2  }
0x17: {  	vm0 =	vmmov $0xffff;
	v1 =	vshrl.u32 v2, $0x3;
	s17 =	simm.s32 $0xE800;
	s26 =	simm.s32 $0xF000;
	[dreg:$0xb] =	wrdreg s24  }
0x18: {  	v0 =	vand.u32 $0x7, v2;
	v2 =	vor.u32 $0x8, v2;
	v1 =	vmul.u32 $0x8, v1;
	[dreg:$0xc] =	wrdreg s0;
	s22 =	simm.s32 $0xB800;
	s24 =	simm.s32 $0xD000  }
.LBB2_1:
0x19: {  	s0 =	rddreg [dreg:$0x3]  }
0x1a: {  	[tilespmem:s18], [sflag:$0x2] =	stream.linear.gather [hbm4b:s0+s1], $0x20, $0x38;
	[tilespmem:$0x12080] =	vst v63  }
0x1b: {  	_ =	swait.ge [sflag:s19], $0x20  }
0x1c: {  	[sflag:s19] =	ssyncset.done $0x0  }
0x1d: {  	[sflag:s19] =	ssyncadd.s32 $0xFFFFFFE0  }
0x1e: {  	v3 =	vld [tilespmem:$0x12000];
	_ =	sdelay $0x4  }
0x1f: {  	v4 =	vshll.u32 v3, $0x3  }
0x20: {  	v3 =	vand.u32 $0x7, v3;
	v4 =	vand.u32 $0xFFFFFFC0, v4  }
0x21: {  	v3 =	vor.u32 v3, v4  }
0x22: {  	v4 =	vperm.xlane v3, v0;
	_ =	sdelay $0x1  }
0x23: {  	v4 =	vadd.s32 v1, v4;
	_ =	sdelay $0x4  }
0x24: {  	[tilespmem:s1], [sflag:$0x1] =	stream.indirect_vreg.gather [hbm4b:s3+s1], $0x80, v4, vm0, $0xb8;
	[tilespmem:$0x12080] =	vst v63  }
0x25: {  	s8 =	simm.s32 $0x800;
	v3 =	vperm.xlane v3, v2  }
0x26: {  	[tilespmem:s8], [sflag:$0x1] =	stream.indirect_vreg.gather [hbm4b:s5+s1], $0x80, v4, vm0, $0xb8;
	[tilespmem:$0x12080] =	vst v63  }
0x27: {  	s10 =	simm.s32 $0x1000;
	v3 =	vadd.s32 v1, v3  }
0x28: {  	[tilespmem:s10], [sflag:$0x1] =	stream.indirect_vreg.gather [hbm4b:s6+s1], $0x80, v4, vm0, $0xb8;
	[tilespmem:$0x12080] =	vst v63  }
0x29: {  	s11 =	simm.s32 $0x1800  }
0x2a: {  	[tilespmem:s11], [sflag:$0x1] =	stream.indirect_vreg.gather [hbm4b:s7+s1], $0x80, v4, vm0, $0xb8;
	[tilespmem:$0x12080] =	vst v63  }
0x2b: {  	s12 =	simm.s32 $0x2000  }
0x2c: {  	[tilespmem:s12], [sflag:$0x1] =	stream.indirect_vreg.gather [hbm4b:s3+s1], $0x80, v3, vm0, $0xb8;
	[tilespmem:$0x12080] =	vst v63  }
0x2d: {  	s2 =	simm.s32 $0x2800  }
0x2e: {  	[tilespmem:s2], [sflag:$0x1] =	stream.indirect_vreg.gather [hbm4b:s5+s1], $0x80, v3, vm0, $0xb8;
	[tilespmem:$0x12080] =	vst v63  }
0x2f: {  	s4 =	simm.s32 $0x3000  }
0x30: {  	[tilespmem:s4], [sflag:$0x1] =	stream.indirect_vreg.gather [hbm4b:s6+s1], $0x80, v3, vm0, $0xb8;
	[tilespmem:$0x12080] =	vst v63  }
0x31: {  	s8 =	simm.s32 $0x3800  }
0x32: {  	[tilespmem:s8], [sflag:$0x1] =	stream.indirect_vreg.gather [hbm4b:s7+s1], $0x80, v3, vm0, $0xb8;
	[tilespmem:$0x12080] =	vst v63  }
0x33: {  	v3 =	vld [tilespmem:$0x12010];
	_ =	sdelay $0x4  }
0x34: {  	v4 =	vshll.u32 v3, $0x3  }
0x35: {  	v3 =	vand.u32 $0x7, v3;
	v4 =	vand.u32 $0xFFFFFFC0, v4  }
0x36: {  	v3 =	vor.u32 v3, v4  }
0x37: {  	v4 =	vperm.xlane v3, v0;
	_ =	sdelay $0x1  }
0x38: {  	v4 =	vadd.s32 v1, v4;
	_ =	sdelay $0x3  }
0x39: {  	s10 =	simm.s32 $0x4000  }
0x3a: {  	[tilespmem:s10], [sflag:$0x1] =	stream.indirect_vreg.gather [hbm4b:s3+s1], $0x80, v4, vm0, $0xb8;
	[tilespmem:$0x12080] =	vst v63  }
0x3b: {  	s11 =	simm.s32 $0x4800;
	v3 =	vperm.xlane v3, v2  }
0x3c: {  	[tilespmem:s11], [sflag:$0x1] =	stream.indirect_vreg.gather [hbm4b:s5+s1], $0x80, v4, vm0, $0xb8;
	[tilespmem:$0x12080] =	vst v63  }
0x3d: {  	s12 =	simm.s32 $0x5000;
	v3 =	vadd.s32 v1, v3  }
0x3e: {  	[tilespmem:s12], [sflag:$0x1] =	stream.indirect_vreg.gather [hbm4b:s6+s1], $0x80, v4, vm0, $0xb8;
	[tilespmem:$0x12080] =	vst v63  }
0x3f: {  	s2 =	simm.s32 $0x5800  }
0x40: {  	[tilespmem:s2], [sflag:$0x1] =	stream.indirect_vreg.gather [hbm4b:s7+s1], $0x80, v4, vm0, $0xb8;
	[tilespmem:$0x12080] =	vst v63  }
0x41: {  	s4 =	simm.s32 $0x6000  }
0x42: {  	[tilespmem:s4], [sflag:$0x1] =	stream.indirect_vreg.gather [hbm4b:s3+s1], $0x80, v3, vm0, $0xb8;
	[tilespmem:$0x12080] =	vst v63  }
0x43: {  	s8 =	simm.s32 $0x6800  }
0x44: {  	[tilespmem:s8], [sflag:$0x1] =	stream.indirect_vreg.gather [hbm4b:s5+s1], $0x80, v3, vm0, $0xb8;
	[tilespmem:$0x12080] =	vst v63  }
0x45: {  	s10 =	simm.s32 $0x7000  }
0x46: {  	[tilespmem:s10], [sflag:$0x1] =	stream.indirect_vreg.gather [hbm4b:s6+s1], $0x80, v3, vm0, $0xb8;
	[tilespmem:$0x12080] =	vst v63  }
0x47: {  	s11 =	simm.s32 $0x7800  }
0x48: {  	[tilespmem:s11], [sflag:$0x1] =	stream.indirect_vreg.gather [hbm4b:s7+s1], $0x80, v3, vm0, $0xb8;
	[tilespmem:$0x12080] =	vst v63  }
0x49: {  	_ =	swait.ge [sflag:s9], $0x8000  }
0x4a: {  	[sflag:s9] =	ssyncset.done $0x0  }
0x4b: {  	s12 =	rddreg [dreg:$0x4];
	[sflag:s9] =	ssyncadd.s32 $0xFFFF8000  }
0x4c: {  	[tilespmem:s18], [sflag:$0x2] =	stream.linear.gather [hbm4b:s12+s1], $0x20, $0x38;
	[tilespmem:$0x12080] =	vst v63  }
0x4d: {  	_ =	swait.ge [sflag:s19], $0x20  }
0x4e: {  	[sflag:s19] =	ssyncset.done $0x0  }
0x4f: {  	[sflag:s19] =	ssyncadd.s32 $0xFFFFFFE0  }
0x50: {  	v3 =	vld [tilespmem:$0x12000];
	_ =	sdelay $0x4  }
0x51: {  	v4 =	vshll.u32 v3, $0x3  }
0x52: {  	v3 =	vand.u32 $0x7, v3;
	v4 =	vand.u32 $0xFFFFFFC0, v4  }
0x53: {  	v3 =	vor.u32 v3, v4  }
0x54: {  	v4 =	vperm.xlane v3, v0;
	_ =	sdelay $0x1  }
0x55: {  	v4 =	vadd.s32 v1, v4;
	_ =	sdelay $0x3  }
0x56: {  	s2 =	simm.s32 $0x8000  }
0x57: {  	[tilespmem:s2], [sflag:$0x1] =	stream.indirect_vreg.gather [hbm4b:s3+s1], $0x80, v4, vm0, $0xb8;
	[tilespmem:$0x12080] =	vst v63  }
0x58: {  	s4 =	simm.s32 $0x8800;
	v3 =	vperm.xlane v3, v2  }
0x59: {  	[tilespmem:s4], [sflag:$0x1] =	stream.indirect_vreg.gather [hbm4b:s5+s1], $0x80, v4, vm0, $0xb8;
	[tilespmem:$0x12080] =	vst v63  }
0x5a: {  	s8 =	simm.s32 $0x9000;
	v3 =	vadd.s32 v1, v3  }
0x5b: {  	[tilespmem:s8], [sflag:$0x1] =	stream.indirect_vreg.gather [hbm4b:s6+s1], $0x80, v4, vm0, $0xb8;
	[tilespmem:$0x12080] =	vst v63  }
0x5c: {  	_ = 	snop  }
0x5d: {  	[tilespmem:s13], [sflag:$0x1] =	stream.indirect_vreg.gather [hbm4b:s7+s1], $0x80, v4, vm0, $0xb8;
	[tilespmem:$0x12080] =	vst v63  }
0x5e: {  	_ = 	snop  }
0x5f: {  	[tilespmem:s20], [sflag:$0x1] =	stream.indirect_vreg.gather [hbm4b:s3+s1], $0x80, v3, vm0, $0xb8;
	[tilespmem:$0x12080] =	vst v63  }
0x60: {  	_ = 	snop  }
0x61: {  	[tilespmem:s21], [sflag:$0x1] =	stream.indirect_vreg.gather [hbm4b:s5+s1], $0x80, v3, vm0, $0xb8;
	[tilespmem:$0x12080] =	vst v63  }
0x62: {  	_ = 	snop  }
0x63: {  	[tilespmem:s14], [sflag:$0x1] =	stream.indirect_vreg.gather [hbm4b:s6+s1], $0x80, v3, vm0, $0xb8;
	[tilespmem:$0x12080] =	vst v63  }
0x64: {  	_ = 	snop  }
0x65: {  	[tilespmem:s22], [sflag:$0x1] =	stream.indirect_vreg.gather [hbm4b:s7+s1], $0x80, v3, vm0, $0xb8;
	[tilespmem:$0x12080] =	vst v63  }
0x66: {  	v3 =	vld [tilespmem:$0x12010];
	_ =	sdelay $0x4  }
0x67: {  	v4 =	vshll.u32 v3, $0x3  }
0x68: {  	v3 =	vand.u32 $0x7, v3;
	v4 =	vand.u32 $0xFFFFFFC0, v4  }
0x69: {  	v3 =	vor.u32 v3, v4  }
0x6a: {  	v4 =	vperm.xlane v3, v0;
	_ =	sdelay $0x1  }
0x6b: {  	v4 =	vadd.s32 v1, v4;
	_ =	sdelay $0x4  }
0x6c: {  	[tilespmem:s15], [sflag:$0x1] =	stream.indirect_vreg.gather [hbm4b:s3+s1], $0x80, v4, vm0, $0xb8;
	[tilespmem:$0x12080] =	vst v63  }
0x6d: {  	v3 =	vperm.xlane v3, v2  }
0x6e: {  	[tilespmem:s23], [sflag:$0x1] =	stream.indirect_vreg.gather [hbm4b:s5+s1], $0x80, v4, vm0, $0xb8;
	[tilespmem:$0x12080] =	vst v63  }
0x6f: {  	v3 =	vadd.s32 v1, v3  }
0x70: {  	[tilespmem:s24], [sflag:$0x1] =	stream.indirect_vreg.gather [hbm4b:s6+s1], $0x80, v4, vm0, $0xb8;
	[tilespmem:$0x12080] =	vst v63  }
0x71: {  	_ = 	snop  }
0x72: {  	[tilespmem:s16], [sflag:$0x1] =	stream.indirect_vreg.gather [hbm4b:s7+s1], $0x80, v4, vm0, $0xb8;
	[tilespmem:$0x12080] =	vst v63  }
0x73: {  	_ = 	snop  }
0x74: {  	[tilespmem:s25], [sflag:$0x1] =	stream.indirect_vreg.gather [hbm4b:s3+s1], $0x80, v3, vm0, $0xb8;
	[tilespmem:$0x12080] =	vst v63  }
0x75: {  	_ = 	snop  }
0x76: {  	[tilespmem:s17], [sflag:$0x1] =	stream.indirect_vreg.gather [hbm4b:s5+s1], $0x80, v3, vm0, $0xb8;
	[tilespmem:$0x12080] =	vst v63  }
0x77: {  	_ = 	snop  }
0x78: {  	[tilespmem:s26], [sflag:$0x1] =	stream.indirect_vreg.gather [hbm4b:s6+s1], $0x80, v3, vm0, $0xb8;
	[tilespmem:$0x12080] =	vst v63  }
0x79: {  	_ = 	snop  }
0x7a: {  	[tilespmem:s28], [sflag:$0x1] =	stream.indirect_vreg.gather [hbm4b:s7+s1], $0x80, v3, vm0, $0xb8;
	[tilespmem:$0x12080] =	vst v63  }
0x7b: {  	_ =	swait.ge [sflag:s9], $0x8000  }
0x7c: {  	[sflag:s9] =	ssyncset.done $0x0  }
0x7d: {  	s10 =	rddreg [dreg:$0x5];
	[sflag:s9] =	ssyncadd.s32 $0xFFFF8000  }
0x7e: {  	[tilespmem:s29], [sflag:$0x2] =	stream.linear.gather [hbm4b:s10+s1], $0x1000, $0x38;
	[tilespmem:$0x12080] =	vst v63  }
0x7f: {  	_ =	swait.ge [sflag:s19], $0x1000  }
0x80: {  	[sflag:s19] =	ssyncset.done $0x0  }
0x81: {  	s11 =	rddreg [dreg:$0x6];
	[sflag:s19] =	ssyncadd.s32 $0xFFFFF000  }
0x82: {  	[tilespmem:s30], [sflag:$0x2] =	stream.linear.gather [hbm4b:s11+s1], $0x1000, $0x38;
	[tilespmem:$0x12080] =	vst v63  }
0x83: {  	s12 =	simm.s32 $0x0;
	_ =	swait.ge [sflag:s19], $0x1000  }
0x84: {  	s0 =	sand.u32 $0x6000, s12;
	s2 =	simm.s32 $0x0;
	[sflag:s19] =	ssyncset.done $0x0  }
0x85: {  	s4 =	sand.u32 $0x1C00, s1;
	s8 =	sand.u32 $0xFFFFFF80, s2;
	[sflag:s19] =	ssyncadd.s32 $0xFFFFF000  }
0x86: {  	s0 =	sor.u32 s4, s0;
	s2 =	sand.u32 $0x380, s2;
	v3 =	vld [tilespmem:s8+$0x10000]  }
0x87: {  	s0 =	sor.u32 s2, s0;
	v4 =	vld [tilespmem:s8+$0x11000]  }
0x88: {  	v5 =	vld [tilespmem:s0+$0x70]  }
0x89: {  	v6 =	vld [tilespmem:s0+$0x8070]  }
0x8a: {  	v7 =	vld [tilespmem:s0+$0x0]  }
0x8b: {  	v8 =	vld [tilespmem:s0+$0x8000]  }
0x8c: {  	v10 =	vld [tilespmem:s0+$0x10]  }
0x8d: {  	v11 =	vld [tilespmem:s0+$0x8010]  }
0x8e: {  	v12 =	vld [tilespmem:s0+$0x20]  }
0x8f: {  	v13 =	vld [tilespmem:s0+$0x8020];
	v5 =	vmul.f32 v5, v3;
	v6 =	vmul.f32 v6, v4  }
0x90: {  	v9 =	vld [tilespmem:s0+$0x30];
	v7 =	vmul.f32 v3, v7;
	v14 =	vmul.f32 v4, v8  }
0x91: {  	v8 =	vld [tilespmem:s0+$0x8030];
	v5 =	vadd.f32 v6, v5  }
0x92: {  	v15 =	vmul.f32 v10, v3;
	v11 =	vmul.f32 v11, v4;
	v7 =	vadd.f32 v14, v7;
	v6 =	vld [tilespmem:s0+$0x40]  }
0x93: {  	[tilespmem:s0+$0x70] =	vst v5;
	v5 =	vld [tilespmem:s0+$0x8040]  }
0x94: {  	s4 =	simm.s32 $0x0;
	s2 =	simm.s32 $0x0;
	v10 =	vmul.f32 v12, v3;
	v12 =	vmul.f32 v13, v4;
	v11 =	vadd.f32 v11, v15;
	[tilespmem:s0+$0x0] =	vst v7;
	v7 =	vld [tilespmem:s0+$0x50]  }
.LBB2_2:
0x95: {  	s2 =	sadd.s32 $0x8, s2;
	v9 =	vmul.f32 v9, v3;
	v13 =	vld [tilespmem:s0+$0x8050]  }
0x96: {  	s4 =	sadd.s32 $0x400, s4;
	s8 =	sshll.u32 s2, $0x4;
	s10 =	sshll.u32 s2, $0x1;
	[tilespmem:s0+$0x10] =	vst v11;
	v10 =	vadd.f32 v12, v10;
	v8 =	vmul.f32 v8, v4;
	v11 =	vld [tilespmem:s0+$0x60]  }
0x97: {  	s11 =	sand.u32 $0x1C00, s4;
	s8 =	sand.u32 $0x6000, s8;
	s12 =	sand.u32 $0xFFFFFF80, s10;
	v6 =	vmul.f32 v6, v3;
	v12 =	vld [tilespmem:s0+$0x8060]  }
0x98: {  	p0 =	slt.u32 s2, $0x7F8;
	s10 =	sand.u32 $0x380, s10;
	s8 =	sor.u32 s11, s8;
	v14 =	vld [tilespmem:s12+$0x10000];
	[tilespmem:s0+$0x20] =	vst v10;
	v8 =	vadd.f32 v8, v9;
	v5 =	vmul.f32 v5, v4  }
0x99: {  	s8 =	sor.u32 s10, s8;
	v9 =	vld [tilespmem:s12+$0x11000];
	v7 =	vmul.f32 v7, v3  }
0x9a: {  	v10 =	vld [tilespmem:s8+$0x70];
	[tilespmem:s0+$0x30] =	vst v8;
	v5 =	vadd.f32 v5, v6;
	v6 =	vmul.f32 v13, v4  }
0x9b: {  	v8 =	vld [tilespmem:s8+$0x8070];
	v11 =	vmul.f32 v11, v3  }
0x9c: {  	v13 =	vld [tilespmem:s8+$0x0];
	[tilespmem:s0+$0x40] =	vst v5;
	v5 =	vadd.f32 v6, v7;
	v12 =	vmul.f32 v12, v4  }
0x9d: {  	v6 =	vld [tilespmem:s8+$0x8000];
	v3 =	vmov v14  }
0x9e: {  	v7 =	vld [tilespmem:s8+$0x10];
	[tilespmem:s0+$0x50] =	vst v5;
	v5 =	vadd.f32 v12, v11;
	v4 =	vmov v9  }
0x9f: {  	v11 =	vld [tilespmem:s8+$0x8010]  }
0xa0: {  	v10 =	vmul.f32 v10, v3;
	v12 =	vld [tilespmem:s8+$0x20];
	v8 =	vmul.f32 v8, v4;
	[tilespmem:s0+$0x60] =	vst v5;
	s0 =	smov.u32 s8  }
0xa1: {  	v5 =	vmul.f32 v3, v13;
	v13 =	vld [tilespmem:s0+$0x8020]  }
.Ltmp0:
0xa2: {  	v6 =	vmul.f32 v4, v6;
	v9 =	vld [tilespmem:s0+$0x30];
	v10 =	vadd.f32 v8, v10;
	(pc) =	sbr.rel @p0 .LBB2_2-.Ltmp0, $4  }
0xa3: {  	v7 =	vmul.f32 v7, v3;
	v8 =	vld [tilespmem:s0+$0x8030]  }
0xa4: {  	v14 =	vadd.f32 v6, v5;
	v11 =	vmul.f32 v11, v4;
	v6 =	vld [tilespmem:s0+$0x40];
	[tilespmem:s0+$0x70] =	vst v10  }
0xa5: {  	v10 =	vmul.f32 v12, v3;
	v5 =	vld [tilespmem:s0+$0x8040]  }
0xa6: {  	[tilespmem:s0+$0x0] =	vst v14;
	v11 =	vadd.f32 v11, v7;
	v12 =	vmul.f32 v13, v4;
	v7 =	vld [tilespmem:s0+$0x50]  }
0xa7: {  	v13 =	vld [tilespmem:s0+$0x8050]  }
0xa8: {  	v14 =	vld [tilespmem:s0+$0x60]  }
0xa9: {  	v15 =	vld [tilespmem:s0+$0x8060];
	_ =	sdelay $0x1  }
0xaa: {  	v9 =	vmul.f32 v9, v3;
	v8 =	vmul.f32 v8, v4  }
0xab: {  	v10 =	vadd.f32 v12, v10;
	v6 =	vmul.f32 v6, v3;
	v5 =	vmul.f32 v5, v4  }
0xac: {  	[tilespmem:s0+$0x10] =	vst v11;
	v8 =	vadd.f32 v8, v9;
	v7 =	vmul.f32 v7, v3;
	v9 =	vmul.f32 v13, v4  }
0xad: {  	[tilespmem:s0+$0x20] =	vst v10;
	v5 =	vadd.f32 v5, v6;
	v3 =	vmul.f32 v14, v3;
	v4 =	vmul.f32 v15, v4  }
0xae: {  	[tilespmem:s0+$0x30] =	vst v8;
	v6 =	vadd.f32 v9, v7  }
0xaf: {  	[tilespmem:s0+$0x40] =	vst v5;
	v3 =	vadd.f32 v4, v3  }
0xb0: {  	[tilespmem:s0+$0x50] =	vst v6  }
0xb1: {  	[tilespmem:s0+$0x60] =	vst v3  }
0xb2: {  	s0 =	simm.s32 $0x0;
	s2 =	rddreg [dreg:$0x7]  }
0xb3: {  	[hbm4b:s2+s0] =	stream.linear.scatter [tilespmem:s0], [sflag:$0x2], $0x8000, $0x38;
	[tilespmem:$0x12080] =	vst v63  }
0xb4: {  	_ =	swait.ge [sflag:s19], $0x8000  }
0xb5: {  	[sflag:s19] =	ssyncset.done $0x0  }
0xb6: {  	s10 =	rddreg [dreg:$0x8];
	[sflag:s19] =	ssyncadd.s32 $0xFFFF8000  }
0xb7: {  	[tilespmem:s18], [sflag:$0x2] =	stream.linear.gather [hbm4b:s10+s0], $0x20, $0x38;
	[tilespmem:$0x12080] =	vst v63  }
0xb8: {  	_ =	swait.ge [sflag:s19], $0x20  }
0xb9: {  	[sflag:s19] =	ssyncset.done $0x0  }
0xba: {  	[sflag:s19] =	ssyncadd.s32 $0xFFFFFFE0  }
0xbb: {  	v3 =	vld [tilespmem:$0x12000];
	_ =	sdelay $0x4  }
0xbc: {  	v4 =	vshll.u32 v3, $0x3  }
0xbd: {  	v3 =	vand.u32 $0x7, v3;
	v4 =	vand.u32 $0xFFFFFFC0, v4  }
0xbe: {  	v3 =	vor.u32 v3, v4  }
0xbf: {  	v4 =	vperm.xlane v3, v0;
	_ =	sdelay $0x1  }
0xc0: {  	v4 =	vadd.s32 v1, v4;
	_ =	sdelay $0x4  }
0xc1: {  	[tilespmem:s0], [sflag:$0x1] =	stream.indirect_vreg.gather [hbm4b:s3+s0], $0x80, v4, vm0, $0xb8;
	[tilespmem:$0x12080] =	vst v63  }
0xc2: {  	s11 =	simm.s32 $0x800;
	v3 =	vperm.xlane v3, v2  }
0xc3: {  	[tilespmem:s11], [sflag:$0x1] =	stream.indirect_vreg.gather [hbm4b:s5+s0], $0x80, v4, vm0, $0xb8;
	[tilespmem:$0x12080] =	vst v63  }
0xc4: {  	s12 =	simm.s32 $0x1000;
	v3 =	vadd.s32 v1, v3  }
0xc5: {  	[tilespmem:s12], [sflag:$0x1] =	stream.indirect_vreg.gather [hbm4b:s6+s0], $0x80, v4, vm0, $0xb8;
	[tilespmem:$0x12080] =	vst v63  }
0xc6: {  	s4 =	simm.s32 $0x1800  }
0xc7: {  	[tilespmem:s4], [sflag:$0x1] =	stream.indirect_vreg.gather [hbm4b:s7+s0], $0x80, v4, vm0, $0xb8;
	[tilespmem:$0x12080] =	vst v63  }
0xc8: {  	s8 =	simm.s32 $0x2000  }
0xc9: {  	[tilespmem:s8], [sflag:$0x1] =	stream.indirect_vreg.gather [hbm4b:s3+s0], $0x80, v3, vm0, $0xb8;
	[tilespmem:$0x12080] =	vst v63  }
0xca: {  	s10 =	simm.s32 $0x2800  }
0xcb: {  	[tilespmem:s10], [sflag:$0x1] =	stream.indirect_vreg.gather [hbm4b:s5+s0], $0x80, v3, vm0, $0xb8;
	[tilespmem:$0x12080] =	vst v63  }
0xcc: {  	s11 =	simm.s32 $0x3000  }
0xcd: {  	[tilespmem:s11], [sflag:$0x1] =	stream.indirect_vreg.gather [hbm4b:s6+s0], $0x80, v3, vm0, $0xb8;
	[tilespmem:$0x12080] =	vst v63  }
0xce: {  	s12 =	simm.s32 $0x3800  }
0xcf: {  	[tilespmem:s12], [sflag:$0x1] =	stream.indirect_vreg.gather [hbm4b:s7+s0], $0x80, v3, vm0, $0xb8;
	[tilespmem:$0x12080] =	vst v63  }
0xd0: {  	v3 =	vld [tilespmem:$0x12010];
	_ =	sdelay $0x4  }
0xd1: {  	v4 =	vshll.u32 v3, $0x3  }
0xd2: {  	v3 =	vand.u32 $0x7, v3;
	v4 =	vand.u32 $0xFFFFFFC0, v4  }
0xd3: {  	v3 =	vor.u32 v3, v4  }
0xd4: {  	v4 =	vperm.xlane v3, v0;
	_ =	sdelay $0x1  }
0xd5: {  	v4 =	vadd.s32 v1, v4;
	_ =	sdelay $0x3  }
0xd6: {  	s4 =	simm.s32 $0x4000  }
0xd7: {  	[tilespmem:s4], [sflag:$0x1] =	stream.indirect_vreg.gather [hbm4b:s3+s0], $0x80, v4, vm0, $0xb8;
	[tilespmem:$0x12080] =	vst v63  }
0xd8: {  	s8 =	simm.s32 $0x4800;
	v3 =	vperm.xlane v3, v2  }
0xd9: {  	[tilespmem:s8], [sflag:$0x1] =	stream.indirect_vreg.gather [hbm4b:s5+s0], $0x80, v4, vm0, $0xb8;
	[tilespmem:$0x12080] =	vst v63  }
0xda: {  	s10 =	simm.s32 $0x5000;
	v3 =	vadd.s32 v1, v3  }
0xdb: {  	[tilespmem:s10], [sflag:$0x1] =	stream.indirect_vreg.gather [hbm4b:s6+s0], $0x80, v4, vm0, $0xb8;
	[tilespmem:$0x12080] =	vst v63  }
0xdc: {  	s11 =	simm.s32 $0x5800  }
0xdd: {  	[tilespmem:s11], [sflag:$0x1] =	stream.indirect_vreg.gather [hbm4b:s7+s0], $0x80, v4, vm0, $0xb8;
	[tilespmem:$0x12080] =	vst v63  }
0xde: {  	s12 =	simm.s32 $0x6000  }
0xdf: {  	[tilespmem:s12], [sflag:$0x1] =	stream.indirect_vreg.gather [hbm4b:s3+s0], $0x80, v3, vm0, $0xb8;
	[tilespmem:$0x12080] =	vst v63  }
0xe0: {  	s4 =	simm.s32 $0x6800  }
0xe1: {  	[tilespmem:s4], [sflag:$0x1] =	stream.indirect_vreg.gather [hbm4b:s5+s0], $0x80, v3, vm0, $0xb8;
	[tilespmem:$0x12080] =	vst v63  }
0xe2: {  	s8 =	simm.s32 $0x7000  }
0xe3: {  	[tilespmem:s8], [sflag:$0x1] =	stream.indirect_vreg.gather [hbm4b:s6+s0], $0x80, v3, vm0, $0xb8;
	[tilespmem:$0x12080] =	vst v63  }
0xe4: {  	s10 =	simm.s32 $0x7800  }
0xe5: {  	[tilespmem:s10], [sflag:$0x1] =	stream.indirect_vreg.gather [hbm4b:s7+s0], $0x80, v3, vm0, $0xb8;
	[tilespmem:$0x12080] =	vst v63  }
0xe6: {  	_ =	swait.ge [sflag:s9], $0x8000  }
0xe7: {  	[sflag:s9] =	ssyncset.done $0x0  }
0xe8: {  	s11 =	rddreg [dreg:$0x9];
	[sflag:s9] =	ssyncadd.s32 $0xFFFF8000  }
0xe9: {  	[tilespmem:s18], [sflag:$0x2] =	stream.linear.gather [hbm4b:s11+s0], $0x20, $0x38;
	[tilespmem:$0x12080] =	vst v63  }
0xea: {  	_ =	swait.ge [sflag:s19], $0x20  }
0xeb: {  	[sflag:s19] =	ssyncset.done $0x0  }
0xec: {  	[sflag:s19] =	ssyncadd.s32 $0xFFFFFFE0  }
0xed: {  	v3 =	vld [tilespmem:$0x12000];
	_ =	sdelay $0x4  }
0xee: {  	v4 =	vshll.u32 v3, $0x3  }
0xef: {  	v3 =	vand.u32 $0x7, v3;
	v4 =	vand.u32 $0xFFFFFFC0, v4  }
0xf0: {  	v3 =	vor.u32 v3, v4  }
0xf1: {  	v4 =	vperm.xlane v3, v0;
	_ =	sdelay $0x1  }
0xf2: {  	v4 =	vadd.s32 v1, v4;
	_ =	sdelay $0x3  }
0xf3: {  	s12 =	simm.s32 $0x8000  }
0xf4: {  	[tilespmem:s12], [sflag:$0x1] =	stream.indirect_vreg.gather [hbm4b:s3+s0], $0x80, v4, vm0, $0xb8;
	[tilespmem:$0x12080] =	vst v63  }
0xf5: {  	s4 =	simm.s32 $0x8800;
	v3 =	vperm.xlane v3, v2  }
0xf6: {  	[tilespmem:s4], [sflag:$0x1] =	stream.indirect_vreg.gather [hbm4b:s5+s0], $0x80, v4, vm0, $0xb8;
	[tilespmem:$0x12080] =	vst v63  }
0xf7: {  	s8 =	simm.s32 $0x9000;
	v3 =	vadd.s32 v1, v3  }
0xf8: {  	[tilespmem:s8], [sflag:$0x1] =	stream.indirect_vreg.gather [hbm4b:s6+s0], $0x80, v4, vm0, $0xb8;
	[tilespmem:$0x12080] =	vst v63  }
0xf9: {  	_ = 	snop  }
0xfa: {  	[tilespmem:s13], [sflag:$0x1] =	stream.indirect_vreg.gather [hbm4b:s7+s0], $0x80, v4, vm0, $0xb8;
	[tilespmem:$0x12080] =	vst v63  }
0xfb: {  	_ = 	snop  }
0xfc: {  	[tilespmem:s20], [sflag:$0x1] =	stream.indirect_vreg.gather [hbm4b:s3+s0], $0x80, v3, vm0, $0xb8;
	[tilespmem:$0x12080] =	vst v63  }
0xfd: {  	_ = 	snop  }
0xfe: {  	[tilespmem:s21], [sflag:$0x1] =	stream.indirect_vreg.gather [hbm4b:s5+s0], $0x80, v3, vm0, $0xb8;
	[tilespmem:$0x12080] =	vst v63  }
0xff: {  	_ = 	snop  }
0x100: {  	[tilespmem:s14], [sflag:$0x1] =	stream.indirect_vreg.gather [hbm4b:s6+s0], $0x80, v3, vm0, $0xb8;
	[tilespmem:$0x12080] =	vst v63  }
0x101: {  	_ = 	snop  }
0x102: {  	[tilespmem:s22], [sflag:$0x1] =	stream.indirect_vreg.gather [hbm4b:s7+s0], $0x80, v3, vm0, $0xb8;
	[tilespmem:$0x12080] =	vst v63  }
0x103: {  	v3 =	vld [tilespmem:$0x12010];
	_ =	sdelay $0x4  }
0x104: {  	v4 =	vshll.u32 v3, $0x3  }
0x105: {  	v3 =	vand.u32 $0x7, v3;
	v4 =	vand.u32 $0xFFFFFFC0, v4  }
0x106: {  	v3 =	vor.u32 v3, v4  }
0x107: {  	v4 =	vperm.xlane v3, v0;
	_ =	sdelay $0x1  }
0x108: {  	v4 =	vadd.s32 v1, v4;
	_ =	sdelay $0x4  }
0x109: {  	[tilespmem:s15], [sflag:$0x1] =	stream.indirect_vreg.gather [hbm4b:s3+s0], $0x80, v4, vm0, $0xb8;
	[tilespmem:$0x12080] =	vst v63  }
0x10a: {  	v3 =	vperm.xlane v3, v2  }
0x10b: {  	[tilespmem:s23], [sflag:$0x1] =	stream.indirect_vreg.gather [hbm4b:s5+s0], $0x80, v4, vm0, $0xb8;
	[tilespmem:$0x12080] =	vst v63  }
0x10c: {  	v3 =	vadd.s32 v1, v3  }
0x10d: {  	[tilespmem:s24], [sflag:$0x1] =	stream.indirect_vreg.gather [hbm4b:s6+s0], $0x80, v4, vm0, $0xb8;
	[tilespmem:$0x12080] =	vst v63  }
0x10e: {  	_ = 	snop  }
0x10f: {  	[tilespmem:s16], [sflag:$0x1] =	stream.indirect_vreg.gather [hbm4b:s7+s0], $0x80, v4, vm0, $0xb8;
	[tilespmem:$0x12080] =	vst v63  }
0x110: {  	_ = 	snop  }
0x111: {  	[tilespmem:s25], [sflag:$0x1] =	stream.indirect_vreg.gather [hbm4b:s3+s0], $0x80, v3, vm0, $0xb8;
	[tilespmem:$0x12080] =	vst v63  }
0x112: {  	_ = 	snop  }
0x113: {  	[tilespmem:s17], [sflag:$0x1] =	stream.indirect_vreg.gather [hbm4b:s5+s0], $0x80, v3, vm0, $0xb8;
	[tilespmem:$0x12080] =	vst v63  }
0x114: {  	_ = 	snop  }
0x115: {  	[tilespmem:s26], [sflag:$0x1] =	stream.indirect_vreg.gather [hbm4b:s6+s0], $0x80, v3, vm0, $0xb8;
	[tilespmem:$0x12080] =	vst v63  }
0x116: {  	_ = 	snop  }
0x117: {  	[tilespmem:s28], [sflag:$0x1] =	stream.indirect_vreg.gather [hbm4b:s7+s0], $0x80, v3, vm0, $0xb8;
	[tilespmem:$0x12080] =	vst v63  }
0x118: {  	_ =	swait.ge [sflag:s9], $0x8000  }
0x119: {  	[sflag:s9] =	ssyncset.done $0x0  }
0x11a: {  	s10 =	rddreg [dreg:$0xa];
	[sflag:s9] =	ssyncadd.s32 $0xFFFF8000  }
0x11b: {  	[tilespmem:s29], [sflag:$0x2] =	stream.linear.gather [hbm4b:s10+s0], $0x1000, $0x38;
	[tilespmem:$0x12080] =	vst v63  }
0x11c: {  	_ =	swait.ge [sflag:s19], $0x1000  }
0x11d: {  	[sflag:s19] =	ssyncset.done $0x0  }
0x11e: {  	s11 =	rddreg [dreg:$0xb];
	[sflag:s19] =	ssyncadd.s32 $0xFFFFF000  }
0x11f: {  	[tilespmem:s30], [sflag:$0x2] =	stream.linear.gather [hbm4b:s11+s0], $0x1000, $0x38;
	[tilespmem:$0x12080] =	vst v63  }
0x120: {  	s12 =	simm.s32 $0x0;
	_ =	swait.ge [sflag:s19], $0x1000  }
0x121: {  	s2 =	sand.u32 $0x6000, s12;
	s4 =	simm.s32 $0x0;
	[sflag:s19] =	ssyncset.done $0x0  }
0x122: {  	s8 =	sand.u32 $0x1C00, s0;
	s10 =	sand.u32 $0xFFFFFF80, s4;
	[sflag:s19] =	ssyncadd.s32 $0xFFFFF000  }
0x123: {  	s2 =	sor.u32 s8, s2;
	s4 =	sand.u32 $0x380, s4;
	v3 =	vld [tilespmem:s10+$0x10000]  }
0x124: {  	s2 =	sor.u32 s4, s2;
	v4 =	vld [tilespmem:s10+$0x11000]  }
0x125: {  	v5 =	vld [tilespmem:s2+$0x70]  }
0x126: {  	v6 =	vld [tilespmem:s2+$0x8070]  }
0x127: {  	v7 =	vld [tilespmem:s2+$0x0]  }
0x128: {  	v8 =	vld [tilespmem:s2+$0x8000]  }
0x129: {  	v10 =	vld [tilespmem:s2+$0x10]  }
0x12a: {  	v11 =	vld [tilespmem:s2+$0x8010]  }
0x12b: {  	v12 =	vld [tilespmem:s2+$0x20]  }
0x12c: {  	v13 =	vld [tilespmem:s2+$0x8020];
	v5 =	vmul.f32 v5, v3;
	v6 =	vmul.f32 v6, v4  }
0x12d: {  	v9 =	vld [tilespmem:s2+$0x30];
	v7 =	vmul.f32 v3, v7;
	v14 =	vmul.f32 v4, v8  }
0x12e: {  	v8 =	vld [tilespmem:s2+$0x8030];
	v5 =	vadd.f32 v6, v5  }
0x12f: {  	v15 =	vmul.f32 v10, v3;
	v11 =	vmul.f32 v11, v4;
	v7 =	vadd.f32 v14, v7;
	v6 =	vld [tilespmem:s2+$0x40]  }
0x130: {  	[tilespmem:s2+$0x70] =	vst v5;
	v5 =	vld [tilespmem:s2+$0x8040]  }
0x131: {  	s4 =	simm.s32 $0x0;
	v10 =	vmul.f32 v12, v3;
	v12 =	vmul.f32 v13, v4;
	v11 =	vadd.f32 v11, v15;
	[tilespmem:s2+$0x0] =	vst v7;
	v7 =	vld [tilespmem:s2+$0x50]  }
.LBB2_4:
0x132: {  	s4 =	sadd.s32 $0x8, s4;
	v9 =	vmul.f32 v9, v3;
	v13 =	vld [tilespmem:s2+$0x8050]  }
0x133: {  	s0 =	sadd.s32 $0x400, s0;
	s8 =	sshll.u32 s4, $0x4;
	s10 =	sshll.u32 s4, $0x1;
	[tilespmem:s2+$0x10] =	vst v11;
	v10 =	vadd.f32 v12, v10;
	v8 =	vmul.f32 v8, v4;
	v11 =	vld [tilespmem:s2+$0x60]  }
0x134: {  	s11 =	sand.u32 $0x1C00, s0;
	s8 =	sand.u32 $0x6000, s8;
	s12 =	sand.u32 $0xFFFFFF80, s10;
	v6 =	vmul.f32 v6, v3;
	v12 =	vld [tilespmem:s2+$0x8060]  }
0x135: {  	p0 =	slt.u32 s4, $0x7F8;
	s10 =	sand.u32 $0x380, s10;
	s8 =	sor.u32 s11, s8;
	v14 =	vld [tilespmem:s12+$0x10000];
	[tilespmem:s2+$0x20] =	vst v10;
	v8 =	vadd.f32 v8, v9;
	v5 =	vmul.f32 v5, v4  }
0x136: {  	s8 =	sor.u32 s10, s8;
	v9 =	vld [tilespmem:s12+$0x11000];
	v7 =	vmul.f32 v7, v3  }
0x137: {  	v10 =	vld [tilespmem:s8+$0x70];
	[tilespmem:s2+$0x30] =	vst v8;
	v5 =	vadd.f32 v5, v6;
	v6 =	vmul.f32 v13, v4  }
0x138: {  	v8 =	vld [tilespmem:s8+$0x8070];
	v11 =	vmul.f32 v11, v3  }
0x139: {  	v13 =	vld [tilespmem:s8+$0x0];
	[tilespmem:s2+$0x40] =	vst v5;
	v5 =	vadd.f32 v6, v7;
	v12 =	vmul.f32 v12, v4  }
0x13a: {  	v6 =	vld [tilespmem:s8+$0x8000];
	v3 =	vmov v14  }
0x13b: {  	v7 =	vld [tilespmem:s8+$0x10];
	[tilespmem:s2+$0x50] =	vst v5;
	v5 =	vadd.f32 v12, v11;
	v4 =	vmov v9  }
0x13c: {  	v11 =	vld [tilespmem:s8+$0x8010]  }
0x13d: {  	v10 =	vmul.f32 v10, v3;
	v12 =	vld [tilespmem:s8+$0x20];
	v8 =	vmul.f32 v8, v4;
	[tilespmem:s2+$0x60] =	vst v5;
	s2 =	smov.u32 s8  }
0x13e: {  	v5 =	vmul.f32 v3, v13;
	v13 =	vld [tilespmem:s2+$0x8020]  }
.Ltmp1:
0x13f: {  	v6 =	vmul.f32 v4, v6;
	v9 =	vld [tilespmem:s2+$0x30];
	v10 =	vadd.f32 v8, v10;
	(pc) =	sbr.rel @p0 .LBB2_4-.Ltmp1, $4  }
0x140: {  	v7 =	vmul.f32 v7, v3;
	v8 =	vld [tilespmem:s2+$0x8030]  }
0x141: {  	v14 =	vadd.f32 v6, v5;
	v11 =	vmul.f32 v11, v4;
	v6 =	vld [tilespmem:s2+$0x40];
	[tilespmem:s2+$0x70] =	vst v10  }
0x142: {  	v10 =	vmul.f32 v12, v3;
	v5 =	vld [tilespmem:s2+$0x8040]  }
0x143: {  	[tilespmem:s2+$0x0] =	vst v14;
	v11 =	vadd.f32 v11, v7;
	v12 =	vmul.f32 v13, v4;
	v7 =	vld [tilespmem:s2+$0x50]  }
0x144: {  	v13 =	vld [tilespmem:s2+$0x8050]  }
0x145: {  	v14 =	vld [tilespmem:s2+$0x60]  }
0x146: {  	v15 =	vld [tilespmem:s2+$0x8060];
	_ =	sdelay $0x1  }
0x147: {  	v9 =	vmul.f32 v9, v3;
	v8 =	vmul.f32 v8, v4  }
0x148: {  	v10 =	vadd.f32 v12, v10;
	v6 =	vmul.f32 v6, v3;
	v5 =	vmul.f32 v5, v4  }
0x149: {  	[tilespmem:s2+$0x10] =	vst v11;
	v8 =	vadd.f32 v8, v9;
	v7 =	vmul.f32 v7, v3;
	v61 =	vmul.f32 v13, v4  }
0x14a: {  	[tilespmem:s2+$0x20] =	vst v10;
	v5 =	vadd.f32 v5, v6;
	v3 =	vmul.f32 v14, v3;
	v62 =	vmul.f32 v15, v4  }
0x14b: {  	[tilespmem:s2+$0x30] =	vst v8;
	v63 =	vadd.f32 v61, v7  }
0x14c: {  	[tilespmem:s2+$0x40] =	vst v5;
	v3 =	vadd.f32 v62, v3  }
0x14d: {  	[tilespmem:s2+$0x50] =	vst v63  }
0x14e: {  	[tilespmem:s2+$0x60] =	vst v3  }
0x14f: {  	s0 =	rddreg [dreg:$0xc]  }
0x150: {  	[hbm4b:s0+s1] =	stream.linear.scatter [tilespmem:s1], [sflag:$0x2], $0x8000, $0x38;
	[tilespmem:$0x12080] =	vst v63  }
0x151: {  	_ =	swait.ge [sflag:s19], $0x8000  }
0x152: {  	s31 =	sadd.s32 $0x1, s31;
	s12 =	rddreg [dreg:$0xd]  }
0x153: {  	p0 =	sne.s32 s31, s12  }
.Ltmp2:
0x154: {  	_ = 	snop;
	(pc) =	sbr.rel @p0 .LBB2_1-.Ltmp2, $3  }
0x155: {  	_ =	sdelay $0x1  }
0x156: {  	[sflag:s19] =	ssyncset.done $0x0  }
0x157: {  	[sflag:s19] =	ssyncadd.s32 $0xFFFF8000  }
0x158: {  	_ =	sfence.sel $0x180000  }
0x159: {  	[bflag:$0x0] =	sbarrier.arrive $0xFFFF  }
0x15a: {  	_ =	strace $0x9000004A  }
0x15b: {  	s0 =	stileid.u32;
	[bflag:$0x2] =	sbarrier.arrive $0xFFFF  }
0x15c: {  	p0 =	sne.s32 s0, $0x0;
	s0 =	rddreg [dreg:$0x2]  }
0x15d: {  	s0 =	sadd.s32 @!p0 $0x100000, s0  }
0x15e: {  	[sflag:s0] =	ssyncadd.tile.s32 @!p0 $0x1;
	_ =	shalt  }
.Lfunc_end2:
_tile_overlayer_lowered:
.L_overlay_start_2:
0x15f: {  	(tag) =	ssettag $0x2  }
0x160: {  	s0 =	rddreg [dreg:$0x0];
	s2 =	stileid.u32  }
0x161: {  	s1 =	rddreg [dreg:$0x1];
	p0 =	sne.s32 s2, $0x0  }
0x162: {  	s3 =	rddreg [dreg:$0x2];
	[bflag:$0x3] =	sbarrier.arrive $0xFFFF;
	s2 =	simm.s32 @!p0 $0x1C02  }
0x163: {  	[timem:s3], [sflag:s2] =	dma.local @!p0 [hbm:s0], s1  }
0x164: {  	s0 =	simm.s32 @!p0 $0x2  }
0x165: {  	_ =	swait.ge @!p0 [sflag:s0], s1  }
0x166: {  	s1 =	ssub.s32 @!p0 $0x0, s1;
	[sflag:s0] =	ssyncset.done @!p0 $0x0  }
0x167: {  	[sflag:s0] =	ssyncadd.s32 @!p0 s1  }
0x168: {  	[bflag:$0x3] =	sbarrier.arrive $0xFFFF  }
0x169: {  	_ =	shalt  }

</sc_bundles>
